<compile_context>
chip_gen: v7x
topology: tpu7x:2x2x1
jax: 0.10.2.dev20260603
libtpu: 0.0.44.dev20260713+nightly
codegen_flags: <defaults>
</compile_context>

<pallas_src>
import functools

import jax
import jax.numpy as jnp
from jax import lax
from jax.experimental import pallas as pl
from jax.experimental.pallas import tpu as pltpu
from jax.experimental.pallas import tpu_sc as plsc


def _proj_body(h_ref, wsrc_ref, wdst_ref, hsrc_out, hdst_out):
    x = h_ref[...]
    dn = (((1,), (1,)), ((), ()))
    hsrc_out[...] = lax.dot_general(x, wsrc_ref[...], dn,
                                    preferred_element_type=jnp.float32)
    hdst_out[...] = lax.dot_general(x, wdst_ref[...], dn,
                                    preferred_element_type=jnp.float32)


def _project(h, W_src, W_dst):
    n, d_in = h.shape
    d_out = W_src.shape[0]
    blk = n
    grid = n // blk
    return pl.pallas_call(
        _proj_body,
        grid=(grid,),
        in_specs=[
            pl.BlockSpec((blk, d_in), lambda i: (i, 0)),
            pl.BlockSpec((d_out, d_in), lambda i: (0, 0)),
            pl.BlockSpec((d_out, d_in), lambda i: (0, 0)),
        ],
        out_specs=[
            pl.BlockSpec((blk, d_out), lambda i: (i, 0)),
            pl.BlockSpec((blk, d_out), lambda i: (i, 0)),
        ],
        out_shape=[
            jax.ShapeDtypeStruct((n, d_out), jnp.float32),
            jax.ShapeDtypeStruct((n, d_out), jnp.float32),
        ],
    )(h, W_src, W_dst)


def _make_edge_kernel(e_total, d, chunk, nc, ns, n_nodes):
    nw = nc * ns
    tchunks = e_total // chunk
    nchunk_lo = tchunks // nw
    rem = tchunks - nchunk_lo * nw
    nchunk_hi = nchunk_lo + (1 if rem else 0)
    nr = 3
    ni = 4
    unroll = 12
    skew_add = 1
    skew_out = 2
    look = 2
    mesh = plsc.VectorSubcoreMesh(core_axis_name="c", subcore_axis_name="s")

    scratch = (
        [pltpu.VMEM((chunk, d), jnp.float32)] * nr
        + [pltpu.VMEM((chunk,), jnp.int32)] * (2 * ni)
        + [pltpu.SemaphoreType.DMA] * (ni + 3 * nr)
        + [pltpu.VMEM_SHARED((n_nodes, d), jnp.float32)]
    )

    @functools.partial(
        pl.kernel,
        out_type=jax.ShapeDtypeStruct((e_total, d), jnp.float32),
        mesh=mesh,
        scratch_types=scratch,
    )
    def edge_kernel(hsrc_hbm, hdst_hbm, src_hbm, dst_hbm, out_hbm, *scr):
        rows = scr[0:nr]
        idxs = scr[nr:nr + ni]
        idxd = scr[nr + ni:nr + 2 * ni]
        o = nr + 2 * ni
        sem_idx = scr[o:o + ni]
        sem_src = scr[o + ni:o + ni + nr]
        sem_add = scr[o + ni + nr:o + ni + 2 * nr]
        sem_out = scr[o + ni + 2 * nr:o + ni + 3 * nr]
        src_tab = scr[o + ni + 3 * nr]

        sid = lax.axis_index("s")
        wid = sid * nc + lax.axis_index("c")
        is_hi = wid < rem
        nchunk = lax.select(is_hi, jnp.int32(nchunk_hi), jnp.int32(nchunk_lo))
        base = chunk * lax.select(
            is_hi, wid * nchunk_hi,
            rem * nchunk_hi + (wid - rem) * nchunk_lo)
        npr = (n_nodes // ns) // 8 * 8
        tail = n_nodes - npr * ns
        cp_tab = pltpu.async_copy(
            hsrc_hbm.at[pl.ds(sid * npr, npr)],
            src_tab.at[pl.ds(sid * npr, npr)], sem_add[0])
        if tail:
            @pl.when(sid == 0)
            def _():
                pltpu.sync_copy(hsrc_hbm.at[pl.ds(npr * ns, tail)],
                                src_tab.at[pl.ds(npr * ns, tail)])
        cp_tab.wait()
        plsc.subcore_barrier()

        def fetch_idx(c, si):
            pltpu.async_copy(src_hbm.at[pl.ds(base + c * chunk, chunk)],
                             idxs[si], sem_idx[si])
            pltpu.async_copy(dst_hbm.at[pl.ds(base + c * chunk, chunk)],
                             idxd[si], sem_idx[si])

        def drain(buf, sem):
            pltpu.make_async_copy(hsrc_hbm.at[pl.ds(0, chunk)], buf, sem).wait()

        def drain_idx(si):
            pltpu.make_async_copy(src_hbm.at[pl.ds(0, chunk)], idxs[si],
                                  sem_idx[si]).wait()
            pltpu.make_async_copy(src_hbm.at[pl.ds(0, chunk)], idxd[si],
                                  sem_idx[si]).wait()

        for f in range(min(look, nchunk_lo)):
            fetch_idx(f, f % ni)

        def round_body(g, carry):
            for s in range(unroll):
                j = g * unroll + s
                sr = s % nr
                si = s % ni
                t = (s - skew_add) % nr
                ti = (s - skew_add) % ni
                u = (s - skew_out) % nr
                fi = (s + look) % ni

                @pl.when((j >= skew_out) & (j < nchunk + skew_out))
                def _():
                    drain(rows[u], sem_add[u])
                    pltpu.async_copy(
                        rows[u],
                        out_hbm.at[
                            pl.ds(base + (j - skew_out) * chunk, chunk)],
                        sem_out[u])

                @pl.when(j + look < nchunk)
                def _():
                    fetch_idx(j + look, fi)

                @pl.when(j < nchunk)
                def _():
                    @pl.when(j >= nr)
                    def _():
                        drain(rows[sr], sem_out[sr])
                    drain_idx(si)
                    pltpu.async_copy(
                        src_tab.at[idxs[si]], rows[sr], sem_src[sr])

                @pl.when((j >= skew_add) & (j < nchunk + skew_add))
                def _():
                    drain(rows[t], sem_src[t])
                    pltpu.async_copy(
                        hdst_hbm.at[idxd[ti]], rows[t], sem_add[t], add=True)
            return carry

        nrounds = (nchunk_hi + skew_out + unroll - 1) // unroll + 1
        lax.fori_loop(0, nrounds, round_body, 0, unroll=False)
        for s in range(nr):
            drain(rows[s], sem_out[s])
    return edge_kernel


def kernel(h, edge_index, W_src, W_dst):
    n, d_in = h.shape
    e_total = edge_index.shape[1]
    d = W_src.shape[0]

    h_src, h_dst = _project(h, W_src, W_dst)

    info = plsc.get_sparse_core_info()
    nc, ns = info.num_cores, info.num_subcores
    chunk = 128 if e_total % 128 == 0 else 80

    src = edge_index[0]
    dst = edge_index[1]

    edge_kernel = _make_edge_kernel(e_total, d, chunk, nc, ns, n)
    return edge_kernel(h_src, h_dst, src, dst)

# --- scband reference (transcript-rebuilt; emitter-appended) ---
"""Pipeline reference for scband-edge-concatenation-9259949490732 (READ-ONLY COPY).

The authoritative reference and input builder live on the scoring server;
editing this copy changes nothing except your own understanding.
"""

import jax, jax.numpy as jnp
import numpy as np

N = 10000
E = 320000
D_IN = 128
D_OUT = 128


def setup_inputs(seed: int = 0) -> dict:
    key = jax.random.key(seed)
    k1, k2, k3, k4 = jax.random.split(key, 4)
    h = jax.random.normal(k1, (N, D_IN), dtype=jnp.float32)
    edge_index = jax.random.randint(k2, (2, E), 0, N, dtype=jnp.int32)
    # Learned params: two bias-free Linear layers (out_features, in_features), torch-style
    scale = 1.0 / np.sqrt(D_IN)
    W_src = jax.random.uniform(k3, (D_OUT, D_IN), dtype=jnp.float32, minval=-scale, maxval=scale)
    W_dst = jax.random.uniform(k4, (D_OUT, D_IN), dtype=jnp.float32, minval=-scale, maxval=scale)
    return {"h": h, "edge_index": edge_index, "W_src": W_src, "W_dst": W_dst}


def reference(h, edge_index, W_src, W_dst):
    # fc_src / fc_dst: bias-free linear projections of node features
    h_src = h @ W_src.T
    h_dst = h @ W_dst.T
    # apply_edges: for each edge (u -> v), e = h_src[u] + h_dst[v]
    src = edge_index[0]
    dst = edge_index[1]
    e = jnp.take(h_src, src, axis=0) + jnp.take(h_dst, dst, axis=0)
    return e

if __name__ == "__main__":
    import jax
    _d = setup_inputs()
    print(jax.jit(kernel)(*tuple(_d.values())))

</pallas_src>

<mosaic_0001>
#map = affine_map<(d0, d1) -> (0, 0)>
#map1 = affine_map<(d0, d1) -> (0)>
module attributes {stable_mosaic.version = 14 : i64} {
  func.func @edge_kernel(%arg0: i32, %arg1: i32, %arg2: memref<10000x128xf32, #tpu.memory_space<hbm>>, %arg3: memref<10000x128xf32, #tpu.memory_space<hbm>>, %arg4: memref<320000xi32, #tpu.memory_space<hbm>>, %arg5: memref<320000xi32, #tpu.memory_space<hbm>>, %arg6: memref<320000x128xf32, #tpu.memory_space<hbm>>, %arg7: memref<128x128xf32, #tpu.memory_space<vmem>>, %arg8: memref<128x128xf32, #tpu.memory_space<vmem>>, %arg9: memref<128x128xf32, #tpu.memory_space<vmem>>, %arg10: memref<128xi32, #tpu.memory_space<vmem>>, %arg11: memref<128xi32, #tpu.memory_space<vmem>>, %arg12: memref<128xi32, #tpu.memory_space<vmem>>, %arg13: memref<128xi32, #tpu.memory_space<vmem>>, %arg14: memref<128xi32, #tpu.memory_space<vmem>>, %arg15: memref<128xi32, #tpu.memory_space<vmem>>, %arg16: memref<128xi32, #tpu.memory_space<vmem>>, %arg17: memref<128xi32, #tpu.memory_space<vmem>>, %arg18: memref<!tpu.dma_semaphore, #tpu.memory_space<semaphore_mem>>, %arg19: memref<!tpu.dma_semaphore, #tpu.memory_space<semaphore_mem>>, %arg20: memref<!tpu.dma_semaphore, #tpu.memory_space<semaphore_mem>>, %arg21: memref<!tpu.dma_semaphore, #tpu.memory_space<semaphore_mem>>, %arg22: memref<!tpu.dma_semaphore, #tpu.memory_space<semaphore_mem>>, %arg23: memref<!tpu.dma_semaphore, #tpu.memory_space<semaphore_mem>>, %arg24: memref<!tpu.dma_semaphore, #tpu.memory_space<semaphore_mem>>, %arg25: memref<!tpu.dma_semaphore, #tpu.memory_space<semaphore_mem>>, %arg26: memref<!tpu.dma_semaphore, #tpu.memory_space<semaphore_mem>>, %arg27: memref<!tpu.dma_semaphore, #tpu.memory_space<semaphore_mem>>, %arg28: memref<!tpu.dma_semaphore, #tpu.memory_space<semaphore_mem>>, %arg29: memref<!tpu.dma_semaphore, #tpu.memory_space<semaphore_mem>>, %arg30: memref<!tpu.dma_semaphore, #tpu.memory_space<semaphore_mem>>, %arg31: memref<10000x128xf32, #tpu.memory_space<vmem_shared>>) attributes {dimension_semantics = [#tpu.dimension_semantics<core_parallel>, #tpu.dimension_semantics<subcore_parallel>], iteration_bounds = array<i64: 2, 16>, scalar_prefetch = 0 : i64, scratch_operands = 25 : i64, tpu.core_type = #tpu.core_type<sc_vector_subcore>, window_params = [{transform_indices = #map}, {transform_indices = #map}, {transform_indices = #map1}, {transform_indices = #map1}, {transform_indices = #map}]} {
    %mul3A = arith.constant 2 : i32
    %mul3A_0 = arith.muli %arg1, %mul3A : i32
    %add3A = arith.addi %mul3A_0, %arg0 : i32
    %lt3A = arith.constant 4 : i32
    %lt3A_1 = arith.cmpi slt, %add3A, %lt3A : i32
    %select_n3A = arith.constant 78 : i32
    %select_n3A_2 = arith.constant 79 : i32
    %select_n3A_3 = arith.select %lt3A_1, %select_n3A_2, %select_n3A : i32
    %mul3A_4 = arith.constant 79 : i32
    %mul3A_5 = arith.muli %add3A, %mul3A_4 : i32
    %sub3A = arith.constant 4 : i32
    %sub3A_6 = arith.subi %add3A, %sub3A : i32
    %mul3A_7 = arith.constant 78 : i32
    %mul3A_8 = arith.muli %sub3A_6, %mul3A_7 : i32
    %add3A_9 = arith.constant 316 : i32
    %add3A_10 = arith.addi %add3A_9, %mul3A_8 : i32
    %select_n3A_11 = arith.select %lt3A_1, %mul3A_5, %add3A_10 : i32
    %mul3A_12 = arith.constant 128 : i32
    %mul3A_13 = arith.muli %mul3A_12, %select_n3A_11 : i32
    %mul3A_14 = arith.constant 624 : i32
    %mul3A_15 = arith.muli %arg1, %mul3A_14 : i32
    %mul3A_16 = arith.constant 624 : i32
    %mul3A_17 = arith.muli %arg1, %mul3A_16 : i32
    %dma_start3A = arith.constant 0 : i32
    %dma_start3A_18 = tpu.memref_slice %arg31[%mul3A_17, %dma_start3A] : memref<10000x128xf32, #tpu.memory_space<vmem_shared>> -> memref<624x128xf32, #tpu.memory_space<vmem_shared>>
    %dma_start3A_19 = arith.constant 0 : i32
    %dma_start3A_20 = tpu.memref_slice %arg2[%mul3A_15, %dma_start3A_19] : memref<10000x128xf32, #tpu.memory_space<hbm>> -> memref<624x128xf32, #tpu.memory_space<hbm>>
    tpu.enqueue_dma source(%dma_start3A_20 : memref<624x128xf32, #tpu.memory_space<hbm>>) target(%dma_start3A_18 : memref<624x128xf32, #tpu.memory_space<vmem_shared>>) target_semaphore(%arg25 : memref<!tpu.dma_semaphore, #tpu.memory_space<semaphore_mem>>)
    %eq3A = arith.constant 0 : i32
    %eq3A_21 = arith.cmpi eq, %arg1, %eq3A : i32
    %convert_element_type3A = arith.extui %eq3A_21 : i1 to i32
    %cond3A = arith.constant 0 : i32
    %cond3A_22 = arith.cmpi ne, %convert_element_type3A, %cond3A : i32
    scf.if %cond3A_22 {
      "tpu.region"() ({
        %run_scoped3A = tpu.sem_alloc : memref<!tpu.dma_semaphore, #tpu.memory_space<semaphore_mem>>
        %dma_start3A_65 = arith.constant 9984 : i32
        %dma_start3A_66 = arith.constant 0 : i32
        %dma_start3A_67 = tpu.memref_slice %arg31[%dma_start3A_65, %dma_start3A_66] : memref<10000x128xf32, #tpu.memory_space<vmem_shared>> -> memref<16x128xf32, #tpu.memory_space<vmem_shared>>
        %dma_start3A_68 = arith.constant 9984 : i32
        %dma_start3A_69 = arith.constant 0 : i32
        %dma_start3A_70 = tpu.memref_slice %arg2[%dma_start3A_68, %dma_start3A_69] : memref<10000x128xf32, #tpu.memory_space<hbm>> -> memref<16x128xf32, #tpu.memory_space<hbm>>
        tpu.enqueue_dma source(%dma_start3A_70 : memref<16x128xf32, #tpu.memory_space<hbm>>) target(%dma_start3A_67 : memref<16x128xf32, #tpu.memory_space<vmem_shared>>) target_semaphore(%run_scoped3A : memref<!tpu.dma_semaphore, #tpu.memory_space<semaphore_mem>>)
        %dma_wait3A_71 = arith.constant 9984 : i32
        %dma_wait3A_72 = arith.constant 0 : i32
        %dma_wait3A_73 = tpu.memref_slice %arg31[%dma_wait3A_71, %dma_wait3A_72] : memref<10000x128xf32, #tpu.memory_space<vmem_shared>> -> memref<16x128xf32, #tpu.memory_space<vmem_shared>>
        %dma_wait3A_74 = arith.constant 9984 : i32
        %dma_wait3A_75 = arith.constant 0 : i32
        %dma_wait3A_76 = tpu.memref_slice %arg2[%dma_wait3A_74, %dma_wait3A_75] : memref<10000x128xf32, #tpu.memory_space<hbm>> -> memref<16x128xf32, #tpu.memory_space<hbm>>
        tpu.wait_dma2 semaphore(%run_scoped3A : memref<!tpu.dma_semaphore, #tpu.memory_space<semaphore_mem>>) src(%dma_wait3A_76 : memref<16x128xf32, #tpu.memory_space<hbm>>) dst(%dma_wait3A_73 : memref<16x128xf32, #tpu.memory_space<vmem_shared>>)
        tpu.yield
      }) : () -> ()
    } else {
    }
    %dma_wait3A = arith.constant 0 : i32
    %dma_wait3A_23 = tpu.memref_slice %arg31[%mul3A_17, %dma_wait3A] : memref<10000x128xf32, #tpu.memory_space<vmem_shared>> -> memref<624x128xf32, #tpu.memory_space<vmem_shared>>
    %dma_wait3A_24 = arith.constant 0 : i32
    %dma_wait3A_25 = tpu.memref_slice %arg2[%mul3A_15, %dma_wait3A_24] : memref<10000x128xf32, #tpu.memory_space<hbm>> -> memref<624x128xf32, #tpu.memory_space<hbm>>
    tpu.wait_dma2 semaphore(%arg25 : memref<!tpu.dma_semaphore, #tpu.memory_space<semaphore_mem>>) src(%dma_wait3A_25 : memref<624x128xf32, #tpu.memory_space<hbm>>) dst(%dma_wait3A_23 : memref<624x128xf32, #tpu.memory_space<vmem_shared>>)
    %barrier3A = arith.constant 0 : index
    tpu.barrier barrier_id(%barrier3A)
    %add3A_26 = arith.constant 0 : i32
    %add3A_27 = arith.addi %mul3A_13, %add3A_26 : i32
    %dma_start3A_28 = tpu.memref_slice %arg4[%add3A_27] : memref<320000xi32, #tpu.memory_space<hbm>> -> memref<128xi32, #tpu.memory_space<hbm>>
    %dma_start3A_29 = tpu.memref_slice %arg4[%add3A_27] : memref<320000xi32, #tpu.memory_space<hbm>> -> memref<128xi32, #tpu.memory_space<hbm>>
    tpu.enqueue_dma source(%dma_start3A_29 : memref<128xi32, #tpu.memory_space<hbm>>) target(%arg10 : memref<128xi32, #tpu.memory_space<vmem>>) target_semaphore(%arg18 : memref<!tpu.dma_semaphore, #tpu.memory_space<semaphore_mem>>)
    %add3A_30 = arith.constant 0 : i32
    %add3A_31 = arith.addi %mul3A_13, %add3A_30 : i32
    %dma_start3A_32 = tpu.memref_slice %arg5[%add3A_31] : memref<320000xi32, #tpu.memory_space<hbm>> -> memref<128xi32, #tpu.memory_space<hbm>>
    %dma_start3A_33 = tpu.memref_slice %arg5[%add3A_31] : memref<320000xi32, #tpu.memory_space<hbm>> -> memref<128xi32, #tpu.memory_space<hbm>>
    tpu.enqueue_dma source(%dma_start3A_33 : memref<128xi32, #tpu.memory_space<hbm>>) target(%arg14 : memref<128xi32, #tpu.memory_space<vmem>>) target_semaphore(%arg18 : memref<!tpu.dma_semaphore, #tpu.memory_space<semaphore_mem>>)
    %add3A_34 = arith.constant 128 : i32
    %add3A_35 = arith.addi %mul3A_13, %add3A_34 : i32
    %dma_start3A_36 = tpu.memref_slice %arg4[%add3A_35] : memref<320000xi32, #tpu.memory_space<hbm>> -> memref<128xi32, #tpu.memory_space<hbm>>
    %dma_start3A_37 = tpu.memref_slice %arg4[%add3A_35] : memref<320000xi32, #tpu.memory_space<hbm>> -> memref<128xi32, #tpu.memory_space<hbm>>
    tpu.enqueue_dma source(%dma_start3A_37 : memref<128xi32, #tpu.memory_space<hbm>>) target(%arg11 : memref<128xi32, #tpu.memory_space<vmem>>) target_semaphore(%arg19 : memref<!tpu.dma_semaphore, #tpu.memory_space<semaphore_mem>>)
    %add3A_38 = arith.constant 128 : i32
    %add3A_39 = arith.addi %mul3A_13, %add3A_38 : i32
    %dma_start3A_40 = tpu.memref_slice %arg5[%add3A_39] : memref<320000xi32, #tpu.memory_space<hbm>> -> memref<128xi32, #tpu.memory_space<hbm>>
    %dma_start3A_41 = tpu.memref_slice %arg5[%add3A_39] : memref<320000xi32, #tpu.memory_space<hbm>> -> memref<128xi32, #tpu.memory_space<hbm>>
    tpu.enqueue_dma source(%dma_start3A_41 : memref<128xi32, #tpu.memory_space<hbm>>) target(%arg15 : memref<128xi32, #tpu.memory_space<vmem>>) target_semaphore(%arg19 : memref<!tpu.dma_semaphore, #tpu.memory_space<semaphore_mem>>)
    %scan3A = arith.constant 0 : i32
    %scan3A_42 = arith.constant 0 : i32
    %scan3A_43 = arith.constant 8 : i32
    %scan3A_44 = arith.addi %scan3A_42, %scan3A_43 : i32
    %scan3A_45 = arith.constant 1 : i32
    scf.for %scan3A_65 = %scan3A_42 to %scan3A_44 step %scan3A_45  : i32 {
      %mul3A_66 = arith.constant 12 : i32
      %mul3A_67 = arith.muli %scan3A_65, %mul3A_66 : i32
      %add3A_68 = arith.constant 0 : i32
      %add3A_69 = arith.addi %mul3A_67, %add3A_68 : i32
      %ge3A = arith.constant 2 : i32
      %ge3A_70 = arith.cmpi sge, %add3A_69, %ge3A : i32
      %add3A_71 = arith.constant 2 : i32
      %add3A_72 = arith.addi %select_n3A_3, %add3A_71 : i32
      %lt3A_73 = arith.cmpi slt, %add3A_69, %add3A_72 : i32
      %and3A = arith.andi %ge3A_70, %lt3A_73 : i1
      %convert_element_type3A_74 = arith.extui %and3A : i1 to i32
      %cond3A_75 = arith.constant 0 : i32
      %cond3A_76 = arith.cmpi ne, %convert_element_type3A_74, %cond3A_75 : i32
      scf.if %cond3A_76 {
        %dma_wait3A_448 = arith.constant 0 : i32
        %dma_wait3A_449 = arith.constant 0 : i32
        %dma_wait3A_450 = tpu.memref_slice %arg2[%dma_wait3A_448, %dma_wait3A_449] : memref<10000x128xf32, #tpu.memory_space<hbm>> -> memref<128x128xf32, #tpu.memory_space<hbm>>
        %dma_wait3A_451 = arith.constant 0 : i32
        %dma_wait3A_452 = arith.constant 0 : i32
        %dma_wait3A_453 = tpu.memref_slice %arg2[%dma_wait3A_451, %dma_wait3A_452] : memref<10000x128xf32, #tpu.memory_space<hbm>> -> memref<128x128xf32, #tpu.memory_space<hbm>>
        tpu.wait_dma2 semaphore(%arg26 : memref<!tpu.dma_semaphore, #tpu.memory_space<semaphore_mem>>) src(%dma_wait3A_453 : memref<128x128xf32, #tpu.memory_space<hbm>>) dst(%arg8 : memref<128x128xf32, #tpu.memory_space<vmem>>)
        %sub3A_454 = arith.constant 2 : i32
        %sub3A_455 = arith.subi %add3A_69, %sub3A_454 : i32
        %mul3A_456 = arith.constant 128 : i32
        %mul3A_457 = arith.muli %sub3A_455, %mul3A_456 : i32
        %add3A_458 = arith.addi %mul3A_13, %mul3A_457 : i32
        %dma_start3A_459 = arith.constant 0 : i32
        %dma_start3A_460 = tpu.memref_slice %arg6[%add3A_458, %dma_start3A_459] : memref<320000x128xf32, #tpu.memory_space<hbm>> -> memref<128x128xf32, #tpu.memory_space<hbm>>
        %dma_start3A_461 = arith.constant 0 : i32
        %dma_start3A_462 = tpu.memref_slice %arg6[%add3A_458, %dma_start3A_461] : memref<320000x128xf32, #tpu.memory_space<hbm>> -> memref<128x128xf32, #tpu.memory_space<hbm>>
        tpu.enqueue_dma source(%arg8 : memref<128x128xf32, #tpu.memory_space<vmem>>) target(%dma_start3A_462 : memref<128x128xf32, #tpu.memory_space<hbm>>) target_semaphore(%arg29 : memref<!tpu.dma_semaphore, #tpu.memory_space<semaphore_mem>>)
      } else {
      }
      %add3A_77 = arith.constant 2 : i32
      %add3A_78 = arith.addi %add3A_69, %add3A_77 : i32
      %lt3A_79 = arith.cmpi slt, %add3A_78, %select_n3A_3 : i32
      %convert_element_type3A_80 = arith.extui %lt3A_79 : i1 to i32
      %cond3A_81 = arith.constant 0 : i32
      %cond3A_82 = arith.cmpi ne, %convert_element_type3A_80, %cond3A_81 : i32
      scf.if %cond3A_82 {
        %add3A_448 = arith.constant 2 : i32
        %add3A_449 = arith.addi %add3A_69, %add3A_448 : i32
        %mul3A_450 = arith.constant 128 : i32
        %mul3A_451 = arith.muli %add3A_449, %mul3A_450 : i32
        %add3A_452 = arith.addi %mul3A_13, %mul3A_451 : i32
        %dma_start3A_453 = tpu.memref_slice %arg4[%add3A_452] : memref<320000xi32, #tpu.memory_space<hbm>> -> memref<128xi32, #tpu.memory_space<hbm>>
        %dma_start3A_454 = tpu.memref_slice %arg4[%add3A_452] : memref<320000xi32, #tpu.memory_space<hbm>> -> memref<128xi32, #tpu.memory_space<hbm>>
        tpu.enqueue_dma source(%dma_start3A_454 : memref<128xi32, #tpu.memory_space<hbm>>) target(%arg12 : memref<128xi32, #tpu.memory_space<vmem>>) target_semaphore(%arg20 : memref<!tpu.dma_semaphore, #tpu.memory_space<semaphore_mem>>)
        %mul3A_455 = arith.constant 128 : i32
        %mul3A_456 = arith.muli %add3A_449, %mul3A_455 : i32
        %add3A_457 = arith.addi %mul3A_13, %mul3A_456 : i32
        %dma_start3A_458 = tpu.memref_slice %arg5[%add3A_457] : memref<320000xi32, #tpu.memory_space<hbm>> -> memref<128xi32, #tpu.memory_space<hbm>>
        %dma_start3A_459 = tpu.memref_slice %arg5[%add3A_457] : memref<320000xi32, #tpu.memory_space<hbm>> -> memref<128xi32, #tpu.memory_space<hbm>>
        tpu.enqueue_dma source(%dma_start3A_459 : memref<128xi32, #tpu.memory_space<hbm>>) target(%arg16 : memref<128xi32, #tpu.memory_space<vmem>>) target_semaphore(%arg20 : memref<!tpu.dma_semaphore, #tpu.memory_space<semaphore_mem>>)
      } else {
      }
      %lt3A_83 = arith.cmpi slt, %add3A_69, %select_n3A_3 : i32
      %convert_element_type3A_84 = arith.extui %lt3A_83 : i1 to i32
      %cond3A_85 = arith.constant 0 : i32
      %cond3A_86 = arith.cmpi ne, %convert_element_type3A_84, %cond3A_85 : i32
      scf.if %cond3A_86 {
        %ge3A_448 = arith.constant 3 : i32
        %ge3A_449 = arith.cmpi sge, %add3A_69, %ge3A_448 : i32
        %convert_element_type3A_450 = arith.extui %ge3A_449 : i1 to i32
        %cond3A_451 = arith.constant 0 : i32
        %cond3A_452 = arith.cmpi ne, %convert_element_type3A_450, %cond3A_451 : i32
        scf.if %cond3A_452 {
          %dma_wait3A_464 = arith.constant 0 : i32
          %dma_wait3A_465 = arith.constant 0 : i32
          %dma_wait3A_466 = tpu.memref_slice %arg2[%dma_wait3A_464, %dma_wait3A_465] : memref<10000x128xf32, #tpu.memory_space<hbm>> -> memref<128x128xf32, #tpu.memory_space<hbm>>
          %dma_wait3A_467 = arith.constant 0 : i32
          %dma_wait3A_468 = arith.constant 0 : i32
          %dma_wait3A_469 = tpu.memref_slice %arg2[%dma_wait3A_467, %dma_wait3A_468] : memref<10000x128xf32, #tpu.memory_space<hbm>> -> memref<128x128xf32, #tpu.memory_space<hbm>>
          tpu.wait_dma2 semaphore(%arg28 : memref<!tpu.dma_semaphore, #tpu.memory_space<semaphore_mem>>) src(%dma_wait3A_469 : memref<128x128xf32, #tpu.memory_space<hbm>>) dst(%arg7 : memref<128x128xf32, #tpu.memory_space<vmem>>)
        } else {
        }
        %dma_wait3A_453 = arith.constant 0 : i32
        %dma_wait3A_454 = tpu.memref_slice %arg4[%dma_wait3A_453] : memref<320000xi32, #tpu.memory_space<hbm>> -> memref<128xi32, #tpu.memory_space<hbm>>
        %dma_wait3A_455 = arith.constant 0 : i32
        %dma_wait3A_456 = tpu.memref_slice %arg4[%dma_wait3A_455] : memref<320000xi32, #tpu.memory_space<hbm>> -> memref<128xi32, #tpu.memory_space<hbm>>
        tpu.wait_dma2 semaphore(%arg18 : memref<!tpu.dma_semaphore, #tpu.memory_space<semaphore_mem>>) src(%dma_wait3A_456 : memref<128xi32, #tpu.memory_space<hbm>>) dst(%arg10 : memref<128xi32, #tpu.memory_space<vmem>>)
        %dma_wait3A_457 = arith.constant 0 : i32
        %dma_wait3A_458 = tpu.memref_slice %arg4[%dma_wait3A_457] : memref<320000xi32, #tpu.memory_space<hbm>> -> memref<128xi32, #tpu.memory_space<hbm>>
        %dma_wait3A_459 = arith.constant 0 : i32
        %dma_wait3A_460 = tpu.memref_slice %arg4[%dma_wait3A_459] : memref<320000xi32, #tpu.memory_space<hbm>> -> memref<128xi32, #tpu.memory_space<hbm>>
        tpu.wait_dma2 semaphore(%arg18 : memref<!tpu.dma_semaphore, #tpu.memory_space<semaphore_mem>>) src(%dma_wait3A_460 : memref<128xi32, #tpu.memory_space<hbm>>) dst(%arg14 : memref<128xi32, #tpu.memory_space<vmem>>)
        %dma_start3A_461 = arith.constant 0 : i32
        %dma_start3A_462 = arith.constant 0 : i32
        %dma_start3A_463 = tpu.memref_slice %arg31[%dma_start3A_461, %dma_start3A_462] : memref<10000x128xf32, #tpu.memory_space<vmem_shared>> -> memref<10000x128xf32, #tpu.memory_space<vmem_shared>>
        tpu.enqueue_indirect_dma source(%dma_start3A_463 : memref<10000x128xf32, #tpu.memory_space<vmem_shared>>) target(%arg7 : memref<128x128xf32, #tpu.memory_space<vmem>>) offsets(%arg10 : memref<128xi32, #tpu.memory_space<vmem>>) semaphore(%arg22 : memref<!tpu.dma_semaphore, #tpu.memory_space<semaphore_mem>>)
      } else {
      }
      %ge3A_87 = arith.constant 1 : i32
      %ge3A_88 = arith.cmpi sge, %add3A_69, %ge3A_87 : i32
      %add3A_89 = arith.constant 1 : i32
      %add3A_90 = arith.addi %select_n3A_3, %add3A_89 : i32
      %lt3A_91 = arith.cmpi slt, %add3A_69, %add3A_90 : i32
      %and3A_92 = arith.andi %ge3A_88, %lt3A_91 : i1
      %convert_element_type3A_93 = arith.extui %and3A_92 : i1 to i32
      %cond3A_94 = arith.constant 0 : i32
      %cond3A_95 = arith.cmpi ne, %convert_element_type3A_93, %cond3A_94 : i32
      scf.if %cond3A_95 {
        %dma_wait3A_448 = arith.constant 0 : i32
        %dma_wait3A_449 = arith.constant 0 : i32
        %dma_wait3A_450 = tpu.memref_slice %arg2[%dma_wait3A_448, %dma_wait3A_449] : memref<10000x128xf32, #tpu.memory_space<hbm>> -> memref<128x128xf32, #tpu.memory_space<hbm>>
        %dma_wait3A_451 = arith.constant 0 : i32
        %dma_wait3A_452 = arith.constant 0 : i32
        %dma_wait3A_453 = tpu.memref_slice %arg2[%dma_wait3A_451, %dma_wait3A_452] : memref<10000x128xf32, #tpu.memory_space<hbm>> -> memref<128x128xf32, #tpu.memory_space<hbm>>
        tpu.wait_dma2 semaphore(%arg24 : memref<!tpu.dma_semaphore, #tpu.memory_space<semaphore_mem>>) src(%dma_wait3A_453 : memref<128x128xf32, #tpu.memory_space<hbm>>) dst(%arg9 : memref<128x128xf32, #tpu.memory_space<vmem>>)
        %dma_start3A_454 = arith.constant 0 : i32
        %dma_start3A_455 = arith.constant 0 : i32
        %dma_start3A_456 = tpu.memref_slice %arg3[%dma_start3A_454, %dma_start3A_455] : memref<10000x128xf32, #tpu.memory_space<hbm>> -> memref<10000x128xf32, #tpu.memory_space<hbm>>
        tpu.enqueue_indirect_dma source(%dma_start3A_456 : memref<10000x128xf32, #tpu.memory_space<hbm>>) target(%arg9 : memref<128x128xf32, #tpu.memory_space<vmem>>) offsets(%arg17 : memref<128xi32, #tpu.memory_space<vmem>>) semaphore(%arg27 : memref<!tpu.dma_semaphore, #tpu.memory_space<semaphore_mem>>) {add = true}
      } else {
      }
      %mul3A_96 = arith.constant 12 : i32
      %mul3A_97 = arith.muli %scan3A_65, %mul3A_96 : i32
      %add3A_98 = arith.constant 1 : i32
      %add3A_99 = arith.addi %mul3A_97, %add3A_98 : i32
      %ge3A_100 = arith.constant 2 : i32
      %ge3A_101 = arith.cmpi sge, %add3A_99, %ge3A_100 : i32
      %add3A_102 = arith.constant 2 : i32
      %add3A_103 = arith.addi %select_n3A_3, %add3A_102 : i32
      %lt3A_104 = arith.cmpi slt, %add3A_99, %add3A_103 : i32
      %and3A_105 = arith.andi %ge3A_101, %lt3A_104 : i1
      %convert_element_type3A_106 = arith.extui %and3A_105 : i1 to i32
      %cond3A_107 = arith.constant 0 : i32
      %cond3A_108 = arith.cmpi ne, %convert_element_type3A_106, %cond3A_107 : i32
      scf.if %cond3A_108 {
        %dma_wait3A_448 = arith.constant 0 : i32
        %dma_wait3A_449 = arith.constant 0 : i32
        %dma_wait3A_450 = tpu.memref_slice %arg2[%dma_wait3A_448, %dma_wait3A_449] : memref<10000x128xf32, #tpu.memory_space<hbm>> -> memref<128x128xf32, #tpu.memory_space<hbm>>
        %dma_wait3A_451 = arith.constant 0 : i32
        %dma_wait3A_452 = arith.constant 0 : i32
        %dma_wait3A_453 = tpu.memref_slice %arg2[%dma_wait3A_451, %dma_wait3A_452] : memref<10000x128xf32, #tpu.memory_space<hbm>> -> memref<128x128xf32, #tpu.memory_space<hbm>>
        tpu.wait_dma2 semaphore(%arg27 : memref<!tpu.dma_semaphore, #tpu.memory_space<semaphore_mem>>) src(%dma_wait3A_453 : memref<128x128xf32, #tpu.memory_space<hbm>>) dst(%arg9 : memref<128x128xf32, #tpu.memory_space<vmem>>)
        %sub3A_454 = arith.constant 2 : i32
        %sub3A_455 = arith.subi %add3A_99, %sub3A_454 : i32
        %mul3A_456 = arith.constant 128 : i32
        %mul3A_457 = arith.muli %sub3A_455, %mul3A_456 : i32
        %add3A_458 = arith.addi %mul3A_13, %mul3A_457 : i32
        %dma_start3A_459 = arith.constant 0 : i32
        %dma_start3A_460 = tpu.memref_slice %arg6[%add3A_458, %dma_start3A_459] : memref<320000x128xf32, #tpu.memory_space<hbm>> -> memref<128x128xf32, #tpu.memory_space<hbm>>
        %dma_start3A_461 = arith.constant 0 : i32
        %dma_start3A_462 = tpu.memref_slice %arg6[%add3A_458, %dma_start3A_461] : memref<320000x128xf32, #tpu.memory_space<hbm>> -> memref<128x128xf32, #tpu.memory_space<hbm>>
        tpu.enqueue_dma source(%arg9 : memref<128x128xf32, #tpu.memory_space<vmem>>) target(%dma_start3A_462 : memref<128x128xf32, #tpu.memory_space<hbm>>) target_semaphore(%arg30 : memref<!tpu.dma_semaphore, #tpu.memory_space<semaphore_mem>>)
      } else {
      }
      %add3A_109 = arith.constant 2 : i32
      %add3A_110 = arith.addi %add3A_99, %add3A_109 : i32
      %lt3A_111 = arith.cmpi slt, %add3A_110, %select_n3A_3 : i32
      %convert_element_type3A_112 = arith.extui %lt3A_111 : i1 to i32
      %cond3A_113 = arith.constant 0 : i32
      %cond3A_114 = arith.cmpi ne, %convert_element_type3A_112, %cond3A_113 : i32
      scf.if %cond3A_114 {
        %add3A_448 = arith.constant 2 : i32
        %add3A_449 = arith.addi %add3A_99, %add3A_448 : i32
        %mul3A_450 = arith.constant 128 : i32
        %mul3A_451 = arith.muli %add3A_449, %mul3A_450 : i32
        %add3A_452 = arith.addi %mul3A_13, %mul3A_451 : i32
        %dma_start3A_453 = tpu.memref_slice %arg4[%add3A_452] : memref<320000xi32, #tpu.memory_space<hbm>> -> memref<128xi32, #tpu.memory_space<hbm>>
        %dma_start3A_454 = tpu.memref_slice %arg4[%add3A_452] : memref<320000xi32, #tpu.memory_space<hbm>> -> memref<128xi32, #tpu.memory_space<hbm>>
        tpu.enqueue_dma source(%dma_start3A_454 : memref<128xi32, #tpu.memory_space<hbm>>) target(%arg13 : memref<128xi32, #tpu.memory_space<vmem>>) target_semaphore(%arg21 : memref<!tpu.dma_semaphore, #tpu.memory_space<semaphore_mem>>)
        %mul3A_455 = arith.constant 128 : i32
        %mul3A_456 = arith.muli %add3A_449, %mul3A_455 : i32
        %add3A_457 = arith.addi %mul3A_13, %mul3A_456 : i32
        %dma_start3A_458 = tpu.memref_slice %arg5[%add3A_457] : memref<320000xi32, #tpu.memory_space<hbm>> -> memref<128xi32, #tpu.memory_space<hbm>>
        %dma_start3A_459 = tpu.memref_slice %arg5[%add3A_457] : memref<320000xi32, #tpu.memory_space<hbm>> -> memref<128xi32, #tpu.memory_space<hbm>>
        tpu.enqueue_dma source(%dma_start3A_459 : memref<128xi32, #tpu.memory_space<hbm>>) target(%arg17 : memref<128xi32, #tpu.memory_space<vmem>>) target_semaphore(%arg21 : memref<!tpu.dma_semaphore, #tpu.memory_space<semaphore_mem>>)
      } else {
      }
      %lt3A_115 = arith.cmpi slt, %add3A_99, %select_n3A_3 : i32
      %convert_element_type3A_116 = arith.extui %lt3A_115 : i1 to i32
      %cond3A_117 = arith.constant 0 : i32
      %cond3A_118 = arith.cmpi ne, %convert_element_type3A_116, %cond3A_117 : i32
      scf.if %cond3A_118 {
        %ge3A_448 = arith.constant 3 : i32
        %ge3A_449 = arith.cmpi sge, %add3A_99, %ge3A_448 : i32
        %convert_element_type3A_450 = arith.extui %ge3A_449 : i1 to i32
        %cond3A_451 = arith.constant 0 : i32
        %cond3A_452 = arith.cmpi ne, %convert_element_type3A_450, %cond3A_451 : i32
        scf.if %cond3A_452 {
          %dma_wait3A_464 = arith.constant 0 : i32
          %dma_wait3A_465 = arith.constant 0 : i32
          %dma_wait3A_466 = tpu.memref_slice %arg2[%dma_wait3A_464, %dma_wait3A_465] : memref<10000x128xf32, #tpu.memory_space<hbm>> -> memref<128x128xf32, #tpu.memory_space<hbm>>
          %dma_wait3A_467 = arith.constant 0 : i32
          %dma_wait3A_468 = arith.constant 0 : i32
          %dma_wait3A_469 = tpu.memref_slice %arg2[%dma_wait3A_467, %dma_wait3A_468] : memref<10000x128xf32, #tpu.memory_space<hbm>> -> memref<128x128xf32, #tpu.memory_space<hbm>>
          tpu.wait_dma2 semaphore(%arg29 : memref<!tpu.dma_semaphore, #tpu.memory_space<semaphore_mem>>) src(%dma_wait3A_469 : memref<128x128xf32, #tpu.memory_space<hbm>>) dst(%arg8 : memref<128x128xf32, #tpu.memory_space<vmem>>)
        } else {
        }
        %dma_wait3A_453 = arith.constant 0 : i32
        %dma_wait3A_454 = tpu.memref_slice %arg4[%dma_wait3A_453] : memref<320000xi32, #tpu.memory_space<hbm>> -> memref<128xi32, #tpu.memory_space<hbm>>
        %dma_wait3A_455 = arith.constant 0 : i32
        %dma_wait3A_456 = tpu.memref_slice %arg4[%dma_wait3A_455] : memref<320000xi32, #tpu.memory_space<hbm>> -> memref<128xi32, #tpu.memory_space<hbm>>
        tpu.wait_dma2 semaphore(%arg19 : memref<!tpu.dma_semaphore, #tpu.memory_space<semaphore_mem>>) src(%dma_wait3A_456 : memref<128xi32, #tpu.memory_space<hbm>>) dst(%arg11 : memref<128xi32, #tpu.memory_space<vmem>>)
        %dma_wait3A_457 = arith.constant 0 : i32
        %dma_wait3A_458 = tpu.memref_slice %arg4[%dma_wait3A_457] : memref<320000xi32, #tpu.memory_space<hbm>> -> memref<128xi32, #tpu.memory_space<hbm>>
        %dma_wait3A_459 = arith.constant 0 : i32
        %dma_wait3A_460 = tpu.memref_slice %arg4[%dma_wait3A_459] : memref<320000xi32, #tpu.memory_space<hbm>> -> memref<128xi32, #tpu.memory_space<hbm>>
        tpu.wait_dma2 semaphore(%arg19 : memref<!tpu.dma_semaphore, #tpu.memory_space<semaphore_mem>>) src(%dma_wait3A_460 : memref<128xi32, #tpu.memory_space<hbm>>) dst(%arg15 : memref<128xi32, #tpu.memory_space<vmem>>)
        %dma_start3A_461 = arith.constant 0 : i32
        %dma_start3A_462 = arith.constant 0 : i32
        %dma_start3A_463 = tpu.memref_slice %arg31[%dma_start3A_461, %dma_start3A_462] : memref<10000x128xf32, #tpu.memory_space<vmem_shared>> -> memref<10000x128xf32, #tpu.memory_space<vmem_shared>>
        tpu.enqueue_indirect_dma source(%dma_start3A_463 : memref<10000x128xf32, #tpu.memory_space<vmem_shared>>) target(%arg8 : memref<128x128xf32, #tpu.memory_space<vmem>>) offsets(%arg11 : memref<128xi32, #tpu.memory_space<vmem>>) semaphore(%arg23 : memref<!tpu.dma_semaphore, #tpu.memory_space<semaphore_mem>>)
      } else {
      }
      %ge3A_119 = arith.constant 1 : i32
      %ge3A_120 = arith.cmpi sge, %add3A_99, %ge3A_119 : i32
      %add3A_121 = arith.constant 1 : i32
      %add3A_122 = arith.addi %select_n3A_3, %add3A_121 : i32
      %lt3A_123 = arith.cmpi slt, %add3A_99, %add3A_122 : i32
      %and3A_124 = arith.andi %ge3A_120, %lt3A_123 : i1
      %convert_element_type3A_125 = arith.extui %and3A_124 : i1 to i32
      %cond3A_126 = arith.constant 0 : i32
      %cond3A_127 = arith.cmpi ne, %convert_element_type3A_125, %cond3A_126 : i32
      scf.if %cond3A_127 {
        %dma_wait3A_448 = arith.constant 0 : i32
        %dma_wait3A_449 = arith.constant 0 : i32
        %dma_wait3A_450 = tpu.memref_slice %arg2[%dma_wait3A_448, %dma_wait3A_449] : memref<10000x128xf32, #tpu.memory_space<hbm>> -> memref<128x128xf32, #tpu.memory_space<hbm>>
        %dma_wait3A_451 = arith.constant 0 : i32
        %dma_wait3A_452 = arith.constant 0 : i32
        %dma_wait3A_453 = tpu.memref_slice %arg2[%dma_wait3A_451, %dma_wait3A_452] : memref<10000x128xf32, #tpu.memory_space<hbm>> -> memref<128x128xf32, #tpu.memory_space<hbm>>
        tpu.wait_dma2 semaphore(%arg22 : memref<!tpu.dma_semaphore, #tpu.memory_space<semaphore_mem>>) src(%dma_wait3A_453 : memref<128x128xf32, #tpu.memory_space<hbm>>) dst(%arg7 : memref<128x128xf32, #tpu.memory_space<vmem>>)
        %dma_start3A_454 = arith.constant 0 : i32
        %dma_start3A_455 = arith.constant 0 : i32
        %dma_start3A_456 = tpu.memref_slice %arg3[%dma_start3A_454, %dma_start3A_455] : memref<10000x128xf32, #tpu.memory_space<hbm>> -> memref<10000x128xf32, #tpu.memory_space<hbm>>
        tpu.enqueue_indirect_dma source(%dma_start3A_456 : memref<10000x128xf32, #tpu.memory_space<hbm>>) target(%arg7 : memref<128x128xf32, #tpu.memory_space<vmem>>) offsets(%arg14 : memref<128xi32, #tpu.memory_space<vmem>>) semaphore(%arg25 : memref<!tpu.dma_semaphore, #tpu.memory_space<semaphore_mem>>) {add = true}
      } else {
      }
      %mul3A_128 = arith.constant 12 : i32
      %mul3A_129 = arith.muli %scan3A_65, %mul3A_128 : i32
      %add3A_130 = arith.constant 2 : i32
      %add3A_131 = arith.addi %mul3A_129, %add3A_130 : i32
      %ge3A_132 = arith.constant 2 : i32
      %ge3A_133 = arith.cmpi sge, %add3A_131, %ge3A_132 : i32
      %add3A_134 = arith.constant 2 : i32
      %add3A_135 = arith.addi %select_n3A_3, %add3A_134 : i32
      %lt3A_136 = arith.cmpi slt, %add3A_131, %add3A_135 : i32
      %and3A_137 = arith.andi %ge3A_133, %lt3A_136 : i1
      %convert_element_type3A_138 = arith.extui %and3A_137 : i1 to i32
      %cond3A_139 = arith.constant 0 : i32
      %cond3A_140 = arith.cmpi ne, %convert_element_type3A_138, %cond3A_139 : i32
      scf.if %cond3A_140 {
        %dma_wait3A_448 = arith.constant 0 : i32
        %dma_wait3A_449 = arith.constant 0 : i32
        %dma_wait3A_450 = tpu.memref_slice %arg2[%dma_wait3A_448, %dma_wait3A_449] : memref<10000x128xf32, #tpu.memory_space<hbm>> -> memref<128x128xf32, #tpu.memory_space<hbm>>
        %dma_wait3A_451 = arith.constant 0 : i32
        %dma_wait3A_452 = arith.constant 0 : i32
        %dma_wait3A_453 = tpu.memref_slice %arg2[%dma_wait3A_451, %dma_wait3A_452] : memref<10000x128xf32, #tpu.memory_space<hbm>> -> memref<128x128xf32, #tpu.memory_space<hbm>>
        tpu.wait_dma2 semaphore(%arg25 : memref<!tpu.dma_semaphore, #tpu.memory_space<semaphore_mem>>) src(%dma_wait3A_453 : memref<128x128xf32, #tpu.memory_space<hbm>>) dst(%arg7 : memref<128x128xf32, #tpu.memory_space<vmem>>)
        %sub3A_454 = arith.constant 2 : i32
        %sub3A_455 = arith.subi %add3A_131, %sub3A_454 : i32
        %mul3A_456 = arith.constant 128 : i32
        %mul3A_457 = arith.muli %sub3A_455, %mul3A_456 : i32
        %add3A_458 = arith.addi %mul3A_13, %mul3A_457 : i32
        %dma_start3A_459 = arith.constant 0 : i32
        %dma_start3A_460 = tpu.memref_slice %arg6[%add3A_458, %dma_start3A_459] : memref<320000x128xf32, #tpu.memory_space<hbm>> -> memref<128x128xf32, #tpu.memory_space<hbm>>
        %dma_start3A_461 = arith.constant 0 : i32
        %dma_start3A_462 = tpu.memref_slice %arg6[%add3A_458, %dma_start3A_461] : memref<320000x128xf32, #tpu.memory_space<hbm>> -> memref<128x128xf32, #tpu.memory_space<hbm>>
        tpu.enqueue_dma source(%arg7 : memref<128x128xf32, #tpu.memory_space<vmem>>) target(%dma_start3A_462 : memref<128x128xf32, #tpu.memory_space<hbm>>) target_semaphore(%arg28 : memref<!tpu.dma_semaphore, #tpu.memory_space<semaphore_mem>>)
      } else {
      }
      %add3A_141 = arith.constant 2 : i32
      %add3A_142 = arith.addi %add3A_131, %add3A_141 : i32
      %lt3A_143 = arith.cmpi slt, %add3A_142, %select_n3A_3 : i32
      %convert_element_type3A_144 = arith.extui %lt3A_143 : i1 to i32
      %cond3A_145 = arith.constant 0 : i32
      %cond3A_146 = arith.cmpi ne, %convert_element_type3A_144, %cond3A_145 : i32
      scf.if %cond3A_146 {
        %add3A_448 = arith.constant 2 : i32
        %add3A_449 = arith.addi %add3A_131, %add3A_448 : i32
        %mul3A_450 = arith.constant 128 : i32
        %mul3A_451 = arith.muli %add3A_449, %mul3A_450 : i32
        %add3A_452 = arith.addi %mul3A_13, %mul3A_451 : i32
        %dma_start3A_453 = tpu.memref_slice %arg4[%add3A_452] : memref<320000xi32, #tpu.memory_space<hbm>> -> memref<128xi32, #tpu.memory_space<hbm>>
        %dma_start3A_454 = tpu.memref_slice %arg4[%add3A_452] : memref<320000xi32, #tpu.memory_space<hbm>> -> memref<128xi32, #tpu.memory_space<hbm>>
        tpu.enqueue_dma source(%dma_start3A_454 : memref<128xi32, #tpu.memory_space<hbm>>) target(%arg10 : memref<128xi32, #tpu.memory_space<vmem>>) target_semaphore(%arg18 : memref<!tpu.dma_semaphore, #tpu.memory_space<semaphore_mem>>)
        %mul3A_455 = arith.constant 128 : i32
        %mul3A_456 = arith.muli %add3A_449, %mul3A_455 : i32
        %add3A_457 = arith.addi %mul3A_13, %mul3A_456 : i32
        %dma_start3A_458 = tpu.memref_slice %arg5[%add3A_457] : memref<320000xi32, #tpu.memory_space<hbm>> -> memref<128xi32, #tpu.memory_space<hbm>>
        %dma_start3A_459 = tpu.memref_slice %arg5[%add3A_457] : memref<320000xi32, #tpu.memory_space<hbm>> -> memref<128xi32, #tpu.memory_space<hbm>>
        tpu.enqueue_dma source(%dma_start3A_459 : memref<128xi32, #tpu.memory_space<hbm>>) target(%arg14 : memref<128xi32, #tpu.memory_space<vmem>>) target_semaphore(%arg18 : memref<!tpu.dma_semaphore, #tpu.memory_space<semaphore_mem>>)
      } else {
      }
      %lt3A_147 = arith.cmpi slt, %add3A_131, %select_n3A_3 : i32
      %convert_element_type3A_148 = arith.extui %lt3A_147 : i1 to i32
      %cond3A_149 = arith.constant 0 : i32
      %cond3A_150 = arith.cmpi ne, %convert_element_type3A_148, %cond3A_149 : i32
      scf.if %cond3A_150 {
        %ge3A_448 = arith.constant 3 : i32
        %ge3A_449 = arith.cmpi sge, %add3A_131, %ge3A_448 : i32
        %convert_element_type3A_450 = arith.extui %ge3A_449 : i1 to i32
        %cond3A_451 = arith.constant 0 : i32
        %cond3A_452 = arith.cmpi ne, %convert_element_type3A_450, %cond3A_451 : i32
        scf.if %cond3A_452 {
          %dma_wait3A_464 = arith.constant 0 : i32
          %dma_wait3A_465 = arith.constant 0 : i32
          %dma_wait3A_466 = tpu.memref_slice %arg2[%dma_wait3A_464, %dma_wait3A_465] : memref<10000x128xf32, #tpu.memory_space<hbm>> -> memref<128x128xf32, #tpu.memory_space<hbm>>
          %dma_wait3A_467 = arith.constant 0 : i32
          %dma_wait3A_468 = arith.constant 0 : i32
          %dma_wait3A_469 = tpu.memref_slice %arg2[%dma_wait3A_467, %dma_wait3A_468] : memref<10000x128xf32, #tpu.memory_space<hbm>> -> memref<128x128xf32, #tpu.memory_space<hbm>>
          tpu.wait_dma2 semaphore(%arg30 : memref<!tpu.dma_semaphore, #tpu.memory_space<semaphore_mem>>) src(%dma_wait3A_469 : memref<128x128xf32, #tpu.memory_space<hbm>>) dst(%arg9 : memref<128x128xf32, #tpu.memory_space<vmem>>)
        } else {
        }
        %dma_wait3A_453 = arith.constant 0 : i32
        %dma_wait3A_454 = tpu.memref_slice %arg4[%dma_wait3A_453] : memref<320000xi32, #tpu.memory_space<hbm>> -> memref<128xi32, #tpu.memory_space<hbm>>
        %dma_wait3A_455 = arith.constant 0 : i32
        %dma_wait3A_456 = tpu.memref_slice %arg4[%dma_wait3A_455] : memref<320000xi32, #tpu.memory_space<hbm>> -> memref<128xi32, #tpu.memory_space<hbm>>
        tpu.wait_dma2 semaphore(%arg20 : memref<!tpu.dma_semaphore, #tpu.memory_space<semaphore_mem>>) src(%dma_wait3A_456 : memref<128xi32, #tpu.memory_space<hbm>>) dst(%arg12 : memref<128xi32, #tpu.memory_space<vmem>>)
        %dma_wait3A_457 = arith.constant 0 : i32
        %dma_wait3A_458 = tpu.memref_slice %arg4[%dma_wait3A_457] : memref<320000xi32, #tpu.memory_space<hbm>> -> memref<128xi32, #tpu.memory_space<hbm>>
        %dma_wait3A_459 = arith.constant 0 : i32
        %dma_wait3A_460 = tpu.memref_slice %arg4[%dma_wait3A_459] : memref<320000xi32, #tpu.memory_space<hbm>> -> memref<128xi32, #tpu.memory_space<hbm>>
        tpu.wait_dma2 semaphore(%arg20 : memref<!tpu.dma_semaphore, #tpu.memory_space<semaphore_mem>>) src(%dma_wait3A_460 : memref<128xi32, #tpu.memory_space<hbm>>) dst(%arg16 : memref<128xi32, #tpu.memory_space<vmem>>)
        %dma_start3A_461 = arith.constant 0 : i32
        %dma_start3A_462 = arith.constant 0 : i32
        %dma_start3A_463 = tpu.memref_slice %arg31[%dma_start3A_461, %dma_start3A_462] : memref<10000x128xf32, #tpu.memory_space<vmem_shared>> -> memref<10000x128xf32, #tpu.memory_space<vmem_shared>>
        tpu.enqueue_indirect_dma source(%dma_start3A_463 : memref<10000x128xf32, #tpu.memory_space<vmem_shared>>) target(%arg9 : memref<128x128xf32, #tpu.memory_space<vmem>>) offsets(%arg12 : memref<128xi32, #tpu.memory_space<vmem>>) semaphore(%arg24 : memref<!tpu.dma_semaphore, #tpu.memory_space<semaphore_mem>>)
      } else {
      }
      %ge3A_151 = arith.constant 1 : i32
      %ge3A_152 = arith.cmpi sge, %add3A_131, %ge3A_151 : i32
      %add3A_153 = arith.constant 1 : i32
      %add3A_154 = arith.addi %select_n3A_3, %add3A_153 : i32
      %lt3A_155 = arith.cmpi slt, %add3A_131, %add3A_154 : i32
      %and3A_156 = arith.andi %ge3A_152, %lt3A_155 : i1
      %convert_element_type3A_157 = arith.extui %and3A_156 : i1 to i32
      %cond3A_158 = arith.constant 0 : i32
      %cond3A_159 = arith.cmpi ne, %convert_element_type3A_157, %cond3A_158 : i32
      scf.if %cond3A_159 {
        %dma_wait3A_448 = arith.constant 0 : i32
        %dma_wait3A_449 = arith.constant 0 : i32
        %dma_wait3A_450 = tpu.memref_slice %arg2[%dma_wait3A_448, %dma_wait3A_449] : memref<10000x128xf32, #tpu.memory_space<hbm>> -> memref<128x128xf32, #tpu.memory_space<hbm>>
        %dma_wait3A_451 = arith.constant 0 : i32
        %dma_wait3A_452 = arith.constant 0 : i32
        %dma_wait3A_453 = tpu.memref_slice %arg2[%dma_wait3A_451, %dma_wait3A_452] : memref<10000x128xf32, #tpu.memory_space<hbm>> -> memref<128x128xf32, #tpu.memory_space<hbm>>
        tpu.wait_dma2 semaphore(%arg23 : memref<!tpu.dma_semaphore, #tpu.memory_space<semaphore_mem>>) src(%dma_wait3A_453 : memref<128x128xf32, #tpu.memory_space<hbm>>) dst(%arg8 : memref<128x128xf32, #tpu.memory_space<vmem>>)
        %dma_start3A_454 = arith.constant 0 : i32
        %dma_start3A_455 = arith.constant 0 : i32
        %dma_start3A_456 = tpu.memref_slice %arg3[%dma_start3A_454, %dma_start3A_455] : memref<10000x128xf32, #tpu.memory_space<hbm>> -> memref<10000x128xf32, #tpu.memory_space<hbm>>
        tpu.enqueue_indirect_dma source(%dma_start3A_456 : memref<10000x128xf32, #tpu.memory_space<hbm>>) target(%arg8 : memref<128x128xf32, #tpu.memory_space<vmem>>) offsets(%arg15 : memref<128xi32, #tpu.memory_space<vmem>>) semaphore(%arg26 : memref<!tpu.dma_semaphore, #tpu.memory_space<semaphore_mem>>) {add = true}
      } else {
      }
      %mul3A_160 = arith.constant 12 : i32
      %mul3A_161 = arith.muli %scan3A_65, %mul3A_160 : i32
      %add3A_162 = arith.constant 3 : i32
      %add3A_163 = arith.addi %mul3A_161, %add3A_162 : i32
      %ge3A_164 = arith.constant 2 : i32
      %ge3A_165 = arith.cmpi sge, %add3A_163, %ge3A_164 : i32
      %add3A_166 = arith.constant 2 : i32
      %add3A_167 = arith.addi %select_n3A_3, %add3A_166 : i32
      %lt3A_168 = arith.cmpi slt, %add3A_163, %add3A_167 : i32
      %and3A_169 = arith.andi %ge3A_165, %lt3A_168 : i1
      %convert_element_type3A_170 = arith.extui %and3A_169 : i1 to i32
      %cond3A_171 = arith.constant 0 : i32
      %cond3A_172 = arith.cmpi ne, %convert_element_type3A_170, %cond3A_171 : i32
      scf.if %cond3A_172 {
        %dma_wait3A_448 = arith.constant 0 : i32
        %dma_wait3A_449 = arith.constant 0 : i32
        %dma_wait3A_450 = tpu.memref_slice %arg2[%dma_wait3A_448, %dma_wait3A_449] : memref<10000x128xf32, #tpu.memory_space<hbm>> -> memref<128x128xf32, #tpu.memory_space<hbm>>
        %dma_wait3A_451 = arith.constant 0 : i32
        %dma_wait3A_452 = arith.constant 0 : i32
        %dma_wait3A_453 = tpu.memref_slice %arg2[%dma_wait3A_451, %dma_wait3A_452] : memref<10000x128xf32, #tpu.memory_space<hbm>> -> memref<128x128xf32, #tpu.memory_space<hbm>>
        tpu.wait_dma2 semaphore(%arg26 : memref<!tpu.dma_semaphore, #tpu.memory_space<semaphore_mem>>) src(%dma_wait3A_453 : memref<128x128xf32, #tpu.memory_space<hbm>>) dst(%arg8 : memref<128x128xf32, #tpu.memory_space<vmem>>)
        %sub3A_454 = arith.constant 2 : i32
        %sub3A_455 = arith.subi %add3A_163, %sub3A_454 : i32
        %mul3A_456 = arith.constant 128 : i32
        %mul3A_457 = arith.muli %sub3A_455, %mul3A_456 : i32
        %add3A_458 = arith.addi %mul3A_13, %mul3A_457 : i32
        %dma_start3A_459 = arith.constant 0 : i32
        %dma_start3A_460 = tpu.memref_slice %arg6[%add3A_458, %dma_start3A_459] : memref<320000x128xf32, #tpu.memory_space<hbm>> -> memref<128x128xf32, #tpu.memory_space<hbm>>
        %dma_start3A_461 = arith.constant 0 : i32
        %dma_start3A_462 = tpu.memref_slice %arg6[%add3A_458, %dma_start3A_461] : memref<320000x128xf32, #tpu.memory_space<hbm>> -> memref<128x128xf32, #tpu.memory_space<hbm>>
        tpu.enqueue_dma source(%arg8 : memref<128x128xf32, #tpu.memory_space<vmem>>) target(%dma_start3A_462 : memref<128x128xf32, #tpu.memory_space<hbm>>) target_semaphore(%arg29 : memref<!tpu.dma_semaphore, #tpu.memory_space<semaphore_mem>>)
      } else {
      }
      %add3A_173 = arith.constant 2 : i32
      %add3A_174 = arith.addi %add3A_163, %add3A_173 : i32
      %lt3A_175 = arith.cmpi slt, %add3A_174, %select_n3A_3 : i32
      %convert_element_type3A_176 = arith.extui %lt3A_175 : i1 to i32
      %cond3A_177 = arith.constant 0 : i32
      %cond3A_178 = arith.cmpi ne, %convert_element_type3A_176, %cond3A_177 : i32
      scf.if %cond3A_178 {
        %add3A_448 = arith.constant 2 : i32
        %add3A_449 = arith.addi %add3A_163, %add3A_448 : i32
        %mul3A_450 = arith.constant 128 : i32
        %mul3A_451 = arith.muli %add3A_449, %mul3A_450 : i32
        %add3A_452 = arith.addi %mul3A_13, %mul3A_451 : i32
        %dma_start3A_453 = tpu.memref_slice %arg4[%add3A_452] : memref<320000xi32, #tpu.memory_space<hbm>> -> memref<128xi32, #tpu.memory_space<hbm>>
        %dma_start3A_454 = tpu.memref_slice %arg4[%add3A_452] : memref<320000xi32, #tpu.memory_space<hbm>> -> memref<128xi32, #tpu.memory_space<hbm>>
        tpu.enqueue_dma source(%dma_start3A_454 : memref<128xi32, #tpu.memory_space<hbm>>) target(%arg11 : memref<128xi32, #tpu.memory_space<vmem>>) target_semaphore(%arg19 : memref<!tpu.dma_semaphore, #tpu.memory_space<semaphore_mem>>)
        %mul3A_455 = arith.constant 128 : i32
        %mul3A_456 = arith.muli %add3A_449, %mul3A_455 : i32
        %add3A_457 = arith.addi %mul3A_13, %mul3A_456 : i32
        %dma_start3A_458 = tpu.memref_slice %arg5[%add3A_457] : memref<320000xi32, #tpu.memory_space<hbm>> -> memref<128xi32, #tpu.memory_space<hbm>>
        %dma_start3A_459 = tpu.memref_slice %arg5[%add3A_457] : memref<320000xi32, #tpu.memory_space<hbm>> -> memref<128xi32, #tpu.memory_space<hbm>>
        tpu.enqueue_dma source(%dma_start3A_459 : memref<128xi32, #tpu.memory_space<hbm>>) target(%arg15 : memref<128xi32, #tpu.memory_space<vmem>>) target_semaphore(%arg19 : memref<!tpu.dma_semaphore, #tpu.memory_space<semaphore_mem>>)
      } else {
      }
      %lt3A_179 = arith.cmpi slt, %add3A_163, %select_n3A_3 : i32
      %convert_element_type3A_180 = arith.extui %lt3A_179 : i1 to i32
      %cond3A_181 = arith.constant 0 : i32
      %cond3A_182 = arith.cmpi ne, %convert_element_type3A_180, %cond3A_181 : i32
      scf.if %cond3A_182 {
        %ge3A_448 = arith.constant 3 : i32
        %ge3A_449 = arith.cmpi sge, %add3A_163, %ge3A_448 : i32
        %convert_element_type3A_450 = arith.extui %ge3A_449 : i1 to i32
        %cond3A_451 = arith.constant 0 : i32
        %cond3A_452 = arith.cmpi ne, %convert_element_type3A_450, %cond3A_451 : i32
        scf.if %cond3A_452 {
          %dma_wait3A_464 = arith.constant 0 : i32
          %dma_wait3A_465 = arith.constant 0 : i32
          %dma_wait3A_466 = tpu.memref_slice %arg2[%dma_wait3A_464, %dma_wait3A_465] : memref<10000x128xf32, #tpu.memory_space<hbm>> -> memref<128x128xf32, #tpu.memory_space<hbm>>
          %dma_wait3A_467 = arith.constant 0 : i32
          %dma_wait3A_468 = arith.constant 0 : i32
          %dma_wait3A_469 = tpu.memref_slice %arg2[%dma_wait3A_467, %dma_wait3A_468] : memref<10000x128xf32, #tpu.memory_space<hbm>> -> memref<128x128xf32, #tpu.memory_space<hbm>>
          tpu.wait_dma2 semaphore(%arg28 : memref<!tpu.dma_semaphore, #tpu.memory_space<semaphore_mem>>) src(%dma_wait3A_469 : memref<128x128xf32, #tpu.memory_space<hbm>>) dst(%arg7 : memref<128x128xf32, #tpu.memory_space<vmem>>)
        } else {
        }
        %dma_wait3A_453 = arith.constant 0 : i32
        %dma_wait3A_454 = tpu.memref_slice %arg4[%dma_wait3A_453] : memref<320000xi32, #tpu.memory_space<hbm>> -> memref<128xi32, #tpu.memory_space<hbm>>
        %dma_wait3A_455 = arith.constant 0 : i32
        %dma_wait3A_456 = tpu.memref_slice %arg4[%dma_wait3A_455] : memref<320000xi32, #tpu.memory_space<hbm>> -> memref<128xi32, #tpu.memory_space<hbm>>
        tpu.wait_dma2 semaphore(%arg21 : memref<!tpu.dma_semaphore, #tpu.memory_space<semaphore_mem>>) src(%dma_wait3A_456 : memref<128xi32, #tpu.memory_space<hbm>>) dst(%arg13 : memref<128xi32, #tpu.memory_space<vmem>>)
        %dma_wait3A_457 = arith.constant 0 : i32
        %dma_wait3A_458 = tpu.memref_slice %arg4[%dma_wait3A_457] : memref<320000xi32, #tpu.memory_space<hbm>> -> memref<128xi32, #tpu.memory_space<hbm>>
        %dma_wait3A_459 = arith.constant 0 : i32
        %dma_wait3A_460 = tpu.memref_slice %arg4[%dma_wait3A_459] : memref<320000xi32, #tpu.memory_space<hbm>> -> memref<128xi32, #tpu.memory_space<hbm>>
        tpu.wait_dma2 semaphore(%arg21 : memref<!tpu.dma_semaphore, #tpu.memory_space<semaphore_mem>>) src(%dma_wait3A_460 : memref<128xi32, #tpu.memory_space<hbm>>) dst(%arg17 : memref<128xi32, #tpu.memory_space<vmem>>)
        %dma_start3A_461 = arith.constant 0 : i32
        %dma_start3A_462 = arith.constant 0 : i32
        %dma_start3A_463 = tpu.memref_slice %arg31[%dma_start3A_461, %dma_start3A_462] : memref<10000x128xf32, #tpu.memory_space<vmem_shared>> -> memref<10000x128xf32, #tpu.memory_space<vmem_shared>>
        tpu.enqueue_indirect_dma source(%dma_start3A_463 : memref<10000x128xf32, #tpu.memory_space<vmem_shared>>) target(%arg7 : memref<128x128xf32, #tpu.memory_space<vmem>>) offsets(%arg13 : memref<128xi32, #tpu.memory_space<vmem>>) semaphore(%arg22 : memref<!tpu.dma_semaphore, #tpu.memory_space<semaphore_mem>>)
      } else {
      }
      %ge3A_183 = arith.constant 1 : i32
      %ge3A_184 = arith.cmpi sge, %add3A_163, %ge3A_183 : i32
      %add3A_185 = arith.constant 1 : i32
      %add3A_186 = arith.addi %select_n3A_3, %add3A_185 : i32
      %lt3A_187 = arith.cmpi slt, %add3A_163, %add3A_186 : i32
      %and3A_188 = arith.andi %ge3A_184, %lt3A_187 : i1
      %convert_element_type3A_189 = arith.extui %and3A_188 : i1 to i32
      %cond3A_190 = arith.constant 0 : i32
      %cond3A_191 = arith.cmpi ne, %convert_element_type3A_189, %cond3A_190 : i32
      scf.if %cond3A_191 {
        %dma_wait3A_448 = arith.constant 0 : i32
        %dma_wait3A_449 = arith.constant 0 : i32
        %dma_wait3A_450 = tpu.memref_slice %arg2[%dma_wait3A_448, %dma_wait3A_449] : memref<10000x128xf32, #tpu.memory_space<hbm>> -> memref<128x128xf32, #tpu.memory_space<hbm>>
        %dma_wait3A_451 = arith.constant 0 : i32
        %dma_wait3A_452 = arith.constant 0 : i32
        %dma_wait3A_453 = tpu.memref_slice %arg2[%dma_wait3A_451, %dma_wait3A_452] : memref<10000x128xf32, #tpu.memory_space<hbm>> -> memref<128x128xf32, #tpu.memory_space<hbm>>
        tpu.wait_dma2 semaphore(%arg24 : memref<!tpu.dma_semaphore, #tpu.memory_space<semaphore_mem>>) src(%dma_wait3A_453 : memref<128x128xf32, #tpu.memory_space<hbm>>) dst(%arg9 : memref<128x128xf32, #tpu.memory_space<vmem>>)
        %dma_start3A_454 = arith.constant 0 : i32
        %dma_start3A_455 = arith.constant 0 : i32
        %dma_start3A_456 = tpu.memref_slice %arg3[%dma_start3A_454, %dma_start3A_455] : memref<10000x128xf32, #tpu.memory_space<hbm>> -> memref<10000x128xf32, #tpu.memory_space<hbm>>
        tpu.enqueue_indirect_dma source(%dma_start3A_456 : memref<10000x128xf32, #tpu.memory_space<hbm>>) target(%arg9 : memref<128x128xf32, #tpu.memory_space<vmem>>) offsets(%arg16 : memref<128xi32, #tpu.memory_space<vmem>>) semaphore(%arg27 : memref<!tpu.dma_semaphore, #tpu.memory_space<semaphore_mem>>) {add = true}
      } else {
      }
      %mul3A_192 = arith.constant 12 : i32
      %mul3A_193 = arith.muli %scan3A_65, %mul3A_192 : i32
      %add3A_194 = arith.constant 4 : i32
      %add3A_195 = arith.addi %mul3A_193, %add3A_194 : i32
      %ge3A_196 = arith.constant 2 : i32
      %ge3A_197 = arith.cmpi sge, %add3A_195, %ge3A_196 : i32
      %add3A_198 = arith.constant 2 : i32
      %add3A_199 = arith.addi %select_n3A_3, %add3A_198 : i32
      %lt3A_200 = arith.cmpi slt, %add3A_195, %add3A_199 : i32
      %and3A_201 = arith.andi %ge3A_197, %lt3A_200 : i1
      %convert_element_type3A_202 = arith.extui %and3A_201 : i1 to i32
      %cond3A_203 = arith.constant 0 : i32
      %cond3A_204 = arith.cmpi ne, %convert_element_type3A_202, %cond3A_203 : i32
      scf.if %cond3A_204 {
        %dma_wait3A_448 = arith.constant 0 : i32
        %dma_wait3A_449 = arith.constant 0 : i32
        %dma_wait3A_450 = tpu.memref_slice %arg2[%dma_wait3A_448, %dma_wait3A_449] : memref<10000x128xf32, #tpu.memory_space<hbm>> -> memref<128x128xf32, #tpu.memory_space<hbm>>
        %dma_wait3A_451 = arith.constant 0 : i32
        %dma_wait3A_452 = arith.constant 0 : i32
        %dma_wait3A_453 = tpu.memref_slice %arg2[%dma_wait3A_451, %dma_wait3A_452] : memref<10000x128xf32, #tpu.memory_space<hbm>> -> memref<128x128xf32, #tpu.memory_space<hbm>>
        tpu.wait_dma2 semaphore(%arg27 : memref<!tpu.dma_semaphore, #tpu.memory_space<semaphore_mem>>) src(%dma_wait3A_453 : memref<128x128xf32, #tpu.memory_space<hbm>>) dst(%arg9 : memref<128x128xf32, #tpu.memory_space<vmem>>)
        %sub3A_454 = arith.constant 2 : i32
        %sub3A_455 = arith.subi %add3A_195, %sub3A_454 : i32
        %mul3A_456 = arith.constant 128 : i32
        %mul3A_457 = arith.muli %sub3A_455, %mul3A_456 : i32
        %add3A_458 = arith.addi %mul3A_13, %mul3A_457 : i32
        %dma_start3A_459 = arith.constant 0 : i32
        %dma_start3A_460 = tpu.memref_slice %arg6[%add3A_458, %dma_start3A_459] : memref<320000x128xf32, #tpu.memory_space<hbm>> -> memref<128x128xf32, #tpu.memory_space<hbm>>
        %dma_start3A_461 = arith.constant 0 : i32
        %dma_start3A_462 = tpu.memref_slice %arg6[%add3A_458, %dma_start3A_461] : memref<320000x128xf32, #tpu.memory_space<hbm>> -> memref<128x128xf32, #tpu.memory_space<hbm>>
        tpu.enqueue_dma source(%arg9 : memref<128x128xf32, #tpu.memory_space<vmem>>) target(%dma_start3A_462 : memref<128x128xf32, #tpu.memory_space<hbm>>) target_semaphore(%arg30 : memref<!tpu.dma_semaphore, #tpu.memory_space<semaphore_mem>>)
      } else {
      }
      %add3A_205 = arith.constant 2 : i32
      %add3A_206 = arith.addi %add3A_195, %add3A_205 : i32
      %lt3A_207 = arith.cmpi slt, %add3A_206, %select_n3A_3 : i32
      %convert_element_type3A_208 = arith.extui %lt3A_207 : i1 to i32
      %cond3A_209 = arith.constant 0 : i32
      %cond3A_210 = arith.cmpi ne, %convert_element_type3A_208, %cond3A_209 : i32
      scf.if %cond3A_210 {
        %add3A_448 = arith.constant 2 : i32
        %add3A_449 = arith.addi %add3A_195, %add3A_448 : i32
        %mul3A_450 = arith.constant 128 : i32
        %mul3A_451 = arith.muli %add3A_449, %mul3A_450 : i32
        %add3A_452 = arith.addi %mul3A_13, %mul3A_451 : i32
        %dma_start3A_453 = tpu.memref_slice %arg4[%add3A_452] : memref<320000xi32, #tpu.memory_space<hbm>> -> memref<128xi32, #tpu.memory_space<hbm>>
        %dma_start3A_454 = tpu.memref_slice %arg4[%add3A_452] : memref<320000xi32, #tpu.memory_space<hbm>> -> memref<128xi32, #tpu.memory_space<hbm>>
        tpu.enqueue_dma source(%dma_start3A_454 : memref<128xi32, #tpu.memory_space<hbm>>) target(%arg12 : memref<128xi32, #tpu.memory_space<vmem>>) target_semaphore(%arg20 : memref<!tpu.dma_semaphore, #tpu.memory_space<semaphore_mem>>)
        %mul3A_455 = arith.constant 128 : i32
        %mul3A_456 = arith.muli %add3A_449, %mul3A_455 : i32
        %add3A_457 = arith.addi %mul3A_13, %mul3A_456 : i32
        %dma_start3A_458 = tpu.memref_slice %arg5[%add3A_457] : memref<320000xi32, #tpu.memory_space<hbm>> -> memref<128xi32, #tpu.memory_space<hbm>>
        %dma_start3A_459 = tpu.memref_slice %arg5[%add3A_457] : memref<320000xi32, #tpu.memory_space<hbm>> -> memref<128xi32, #tpu.memory_space<hbm>>
        tpu.enqueue_dma source(%dma_start3A_459 : memref<128xi32, #tpu.memory_space<hbm>>) target(%arg16 : memref<128xi32, #tpu.memory_space<vmem>>) target_semaphore(%arg20 : memref<!tpu.dma_semaphore, #tpu.memory_space<semaphore_mem>>)
      } else {
      }
      %lt3A_211 = arith.cmpi slt, %add3A_195, %select_n3A_3 : i32
      %convert_element_type3A_212 = arith.extui %lt3A_211 : i1 to i32
      %cond3A_213 = arith.constant 0 : i32
      %cond3A_214 = arith.cmpi ne, %convert_element_type3A_212, %cond3A_213 : i32
      scf.if %cond3A_214 {
        %ge3A_448 = arith.constant 3 : i32
        %ge3A_449 = arith.cmpi sge, %add3A_195, %ge3A_448 : i32
        %convert_element_type3A_450 = arith.extui %ge3A_449 : i1 to i32
        %cond3A_451 = arith.constant 0 : i32
        %cond3A_452 = arith.cmpi ne, %convert_element_type3A_450, %cond3A_451 : i32
        scf.if %cond3A_452 {
          %dma_wait3A_464 = arith.constant 0 : i32
          %dma_wait3A_465 = arith.constant 0 : i32
          %dma_wait3A_466 = tpu.memref_slice %arg2[%dma_wait3A_464, %dma_wait3A_465] : memref<10000x128xf32, #tpu.memory_space<hbm>> -> memref<128x128xf32, #tpu.memory_space<hbm>>
          %dma_wait3A_467 = arith.constant 0 : i32
          %dma_wait3A_468 = arith.constant 0 : i32
          %dma_wait3A_469 = tpu.memref_slice %arg2[%dma_wait3A_467, %dma_wait3A_468] : memref<10000x128xf32, #tpu.memory_space<hbm>> -> memref<128x128xf32, #tpu.memory_space<hbm>>
          tpu.wait_dma2 semaphore(%arg29 : memref<!tpu.dma_semaphore, #tpu.memory_space<semaphore_mem>>) src(%dma_wait3A_469 : memref<128x128xf32, #tpu.memory_space<hbm>>) dst(%arg8 : memref<128x128xf32, #tpu.memory_space<vmem>>)
        } else {
        }
        %dma_wait3A_453 = arith.constant 0 : i32
        %dma_wait3A_454 = tpu.memref_slice %arg4[%dma_wait3A_453] : memref<320000xi32, #tpu.memory_space<hbm>> -> memref<128xi32, #tpu.memory_space<hbm>>
        %dma_wait3A_455 = arith.constant 0 : i32
        %dma_wait3A_456 = tpu.memref_slice %arg4[%dma_wait3A_455] : memref<320000xi32, #tpu.memory_space<hbm>> -> memref<128xi32, #tpu.memory_space<hbm>>
        tpu.wait_dma2 semaphore(%arg18 : memref<!tpu.dma_semaphore, #tpu.memory_space<semaphore_mem>>) src(%dma_wait3A_456 : memref<128xi32, #tpu.memory_space<hbm>>) dst(%arg10 : memref<128xi32, #tpu.memory_space<vmem>>)
        %dma_wait3A_457 = arith.constant 0 : i32
        %dma_wait3A_458 = tpu.memref_slice %arg4[%dma_wait3A_457] : memref<320000xi32, #tpu.memory_space<hbm>> -> memref<128xi32, #tpu.memory_space<hbm>>
        %dma_wait3A_459 = arith.constant 0 : i32
        %dma_wait3A_460 = tpu.memref_slice %arg4[%dma_wait3A_459] : memref<320000xi32, #tpu.memory_space<hbm>> -> memref<128xi32, #tpu.memory_space<hbm>>
        tpu.wait_dma2 semaphore(%arg18 : memref<!tpu.dma_semaphore, #tpu.memory_space<semaphore_mem>>) src(%dma_wait3A_460 : memref<128xi32, #tpu.memory_space<hbm>>) dst(%arg14 : memref<128xi32, #tpu.memory_space<vmem>>)
        %dma_start3A_461 = arith.constant 0 : i32
        %dma_start3A_462 = arith.constant 0 : i32
        %dma_start3A_463 = tpu.memref_slice %arg31[%dma_start3A_461, %dma_start3A_462] : memref<10000x128xf32, #tpu.memory_space<vmem_shared>> -> memref<10000x128xf32, #tpu.memory_space<vmem_shared>>
        tpu.enqueue_indirect_dma source(%dma_start3A_463 : memref<10000x128xf32, #tpu.memory_space<vmem_shared>>) target(%arg8 : memref<128x128xf32, #tpu.memory_space<vmem>>) offsets(%arg10 : memref<128xi32, #tpu.memory_space<vmem>>) semaphore(%arg23 : memref<!tpu.dma_semaphore, #tpu.memory_space<semaphore_mem>>)
      } else {
      }
      %ge3A_215 = arith.constant 1 : i32
      %ge3A_216 = arith.cmpi sge, %add3A_195, %ge3A_215 : i32
      %add3A_217 = arith.constant 1 : i32
      %add3A_218 = arith.addi %select_n3A_3, %add3A_217 : i32
      %lt3A_219 = arith.cmpi slt, %add3A_195, %add3A_218 : i32
      %and3A_220 = arith.andi %ge3A_216, %lt3A_219 : i1
      %convert_element_type3A_221 = arith.extui %and3A_220 : i1 to i32
      %cond3A_222 = arith.constant 0 : i32
      %cond3A_223 = arith.cmpi ne, %convert_element_type3A_221, %cond3A_222 : i32
      scf.if %cond3A_223 {
        %dma_wait3A_448 = arith.constant 0 : i32
        %dma_wait3A_449 = arith.constant 0 : i32
        %dma_wait3A_450 = tpu.memref_slice %arg2[%dma_wait3A_448, %dma_wait3A_449] : memref<10000x128xf32, #tpu.memory_space<hbm>> -> memref<128x128xf32, #tpu.memory_space<hbm>>
        %dma_wait3A_451 = arith.constant 0 : i32
        %dma_wait3A_452 = arith.constant 0 : i32
        %dma_wait3A_453 = tpu.memref_slice %arg2[%dma_wait3A_451, %dma_wait3A_452] : memref<10000x128xf32, #tpu.memory_space<hbm>> -> memref<128x128xf32, #tpu.memory_space<hbm>>
        tpu.wait_dma2 semaphore(%arg22 : memref<!tpu.dma_semaphore, #tpu.memory_space<semaphore_mem>>) src(%dma_wait3A_453 : memref<128x128xf32, #tpu.memory_space<hbm>>) dst(%arg7 : memref<128x128xf32, #tpu.memory_space<vmem>>)
        %dma_start3A_454 = arith.constant 0 : i32
        %dma_start3A_455 = arith.constant 0 : i32
        %dma_start3A_456 = tpu.memref_slice %arg3[%dma_start3A_454, %dma_start3A_455] : memref<10000x128xf32, #tpu.memory_space<hbm>> -> memref<10000x128xf32, #tpu.memory_space<hbm>>
        tpu.enqueue_indirect_dma source(%dma_start3A_456 : memref<10000x128xf32, #tpu.memory_space<hbm>>) target(%arg7 : memref<128x128xf32, #tpu.memory_space<vmem>>) offsets(%arg17 : memref<128xi32, #tpu.memory_space<vmem>>) semaphore(%arg25 : memref<!tpu.dma_semaphore, #tpu.memory_space<semaphore_mem>>) {add = true}
      } else {
      }
      %mul3A_224 = arith.constant 12 : i32
      %mul3A_225 = arith.muli %scan3A_65, %mul3A_224 : i32
      %add3A_226 = arith.constant 5 : i32
      %add3A_227 = arith.addi %mul3A_225, %add3A_226 : i32
      %ge3A_228 = arith.constant 2 : i32
      %ge3A_229 = arith.cmpi sge, %add3A_227, %ge3A_228 : i32
      %add3A_230 = arith.constant 2 : i32
      %add3A_231 = arith.addi %select_n3A_3, %add3A_230 : i32
      %lt3A_232 = arith.cmpi slt, %add3A_227, %add3A_231 : i32
      %and3A_233 = arith.andi %ge3A_229, %lt3A_232 : i1
      %convert_element_type3A_234 = arith.extui %and3A_233 : i1 to i32
      %cond3A_235 = arith.constant 0 : i32
      %cond3A_236 = arith.cmpi ne, %convert_element_type3A_234, %cond3A_235 : i32
      scf.if %cond3A_236 {
        %dma_wait3A_448 = arith.constant 0 : i32
        %dma_wait3A_449 = arith.constant 0 : i32
        %dma_wait3A_450 = tpu.memref_slice %arg2[%dma_wait3A_448, %dma_wait3A_449] : memref<10000x128xf32, #tpu.memory_space<hbm>> -> memref<128x128xf32, #tpu.memory_space<hbm>>
        %dma_wait3A_451 = arith.constant 0 : i32
        %dma_wait3A_452 = arith.constant 0 : i32
        %dma_wait3A_453 = tpu.memref_slice %arg2[%dma_wait3A_451, %dma_wait3A_452] : memref<10000x128xf32, #tpu.memory_space<hbm>> -> memref<128x128xf32, #tpu.memory_space<hbm>>
        tpu.wait_dma2 semaphore(%arg25 : memref<!tpu.dma_semaphore, #tpu.memory_space<semaphore_mem>>) src(%dma_wait3A_453 : memref<128x128xf32, #tpu.memory_space<hbm>>) dst(%arg7 : memref<128x128xf32, #tpu.memory_space<vmem>>)
        %sub3A_454 = arith.constant 2 : i32
        %sub3A_455 = arith.subi %add3A_227, %sub3A_454 : i32
        %mul3A_456 = arith.constant 128 : i32
        %mul3A_457 = arith.muli %sub3A_455, %mul3A_456 : i32
        %add3A_458 = arith.addi %mul3A_13, %mul3A_457 : i32
        %dma_start3A_459 = arith.constant 0 : i32
        %dma_start3A_460 = tpu.memref_slice %arg6[%add3A_458, %dma_start3A_459] : memref<320000x128xf32, #tpu.memory_space<hbm>> -> memref<128x128xf32, #tpu.memory_space<hbm>>
        %dma_start3A_461 = arith.constant 0 : i32
        %dma_start3A_462 = tpu.memref_slice %arg6[%add3A_458, %dma_start3A_461] : memref<320000x128xf32, #tpu.memory_space<hbm>> -> memref<128x128xf32, #tpu.memory_space<hbm>>
        tpu.enqueue_dma source(%arg7 : memref<128x128xf32, #tpu.memory_space<vmem>>) target(%dma_start3A_462 : memref<128x128xf32, #tpu.memory_space<hbm>>) target_semaphore(%arg28 : memref<!tpu.dma_semaphore, #tpu.memory_space<semaphore_mem>>)
      } else {
      }
      %add3A_237 = arith.constant 2 : i32
      %add3A_238 = arith.addi %add3A_227, %add3A_237 : i32
      %lt3A_239 = arith.cmpi slt, %add3A_238, %select_n3A_3 : i32
      %convert_element_type3A_240 = arith.extui %lt3A_239 : i1 to i32
      %cond3A_241 = arith.constant 0 : i32
      %cond3A_242 = arith.cmpi ne, %convert_element_type3A_240, %cond3A_241 : i32
      scf.if %cond3A_242 {
        %add3A_448 = arith.constant 2 : i32
        %add3A_449 = arith.addi %add3A_227, %add3A_448 : i32
        %mul3A_450 = arith.constant 128 : i32
        %mul3A_451 = arith.muli %add3A_449, %mul3A_450 : i32
        %add3A_452 = arith.addi %mul3A_13, %mul3A_451 : i32
        %dma_start3A_453 = tpu.memref_slice %arg4[%add3A_452] : memref<320000xi32, #tpu.memory_space<hbm>> -> memref<128xi32, #tpu.memory_space<hbm>>
        %dma_start3A_454 = tpu.memref_slice %arg4[%add3A_452] : memref<320000xi32, #tpu.memory_space<hbm>> -> memref<128xi32, #tpu.memory_space<hbm>>
        tpu.enqueue_dma source(%dma_start3A_454 : memref<128xi32, #tpu.memory_space<hbm>>) target(%arg13 : memref<128xi32, #tpu.memory_space<vmem>>) target_semaphore(%arg21 : memref<!tpu.dma_semaphore, #tpu.memory_space<semaphore_mem>>)
        %mul3A_455 = arith.constant 128 : i32
        %mul3A_456 = arith.muli %add3A_449, %mul3A_455 : i32
        %add3A_457 = arith.addi %mul3A_13, %mul3A_456 : i32
        %dma_start3A_458 = tpu.memref_slice %arg5[%add3A_457] : memref<320000xi32, #tpu.memory_space<hbm>> -> memref<128xi32, #tpu.memory_space<hbm>>
        %dma_start3A_459 = tpu.memref_slice %arg5[%add3A_457] : memref<320000xi32, #tpu.memory_space<hbm>> -> memref<128xi32, #tpu.memory_space<hbm>>
        tpu.enqueue_dma source(%dma_start3A_459 : memref<128xi32, #tpu.memory_space<hbm>>) target(%arg17 : memref<128xi32, #tpu.memory_space<vmem>>) target_semaphore(%arg21 : memref<!tpu.dma_semaphore, #tpu.memory_space<semaphore_mem>>)
      } else {
      }
      %lt3A_243 = arith.cmpi slt, %add3A_227, %select_n3A_3 : i32
      %convert_element_type3A_244 = arith.extui %lt3A_243 : i1 to i32
      %cond3A_245 = arith.constant 0 : i32
      %cond3A_246 = arith.cmpi ne, %convert_element_type3A_244, %cond3A_245 : i32
      scf.if %cond3A_246 {
        %ge3A_448 = arith.constant 3 : i32
        %ge3A_449 = arith.cmpi sge, %add3A_227, %ge3A_448 : i32
        %convert_element_type3A_450 = arith.extui %ge3A_449 : i1 to i32
        %cond3A_451 = arith.constant 0 : i32
        %cond3A_452 = arith.cmpi ne, %convert_element_type3A_450, %cond3A_451 : i32
        scf.if %cond3A_452 {
          %dma_wait3A_464 = arith.constant 0 : i32
          %dma_wait3A_465 = arith.constant 0 : i32
          %dma_wait3A_466 = tpu.memref_slice %arg2[%dma_wait3A_464, %dma_wait3A_465] : memref<10000x128xf32, #tpu.memory_space<hbm>> -> memref<128x128xf32, #tpu.memory_space<hbm>>
          %dma_wait3A_467 = arith.constant 0 : i32
          %dma_wait3A_468 = arith.constant 0 : i32
          %dma_wait3A_469 = tpu.memref_slice %arg2[%dma_wait3A_467, %dma_wait3A_468] : memref<10000x128xf32, #tpu.memory_space<hbm>> -> memref<128x128xf32, #tpu.memory_space<hbm>>
          tpu.wait_dma2 semaphore(%arg30 : memref<!tpu.dma_semaphore, #tpu.memory_space<semaphore_mem>>) src(%dma_wait3A_469 : memref<128x128xf32, #tpu.memory_space<hbm>>) dst(%arg9 : memref<128x128xf32, #tpu.memory_space<vmem>>)
        } else {
        }
        %dma_wait3A_453 = arith.constant 0 : i32
        %dma_wait3A_454 = tpu.memref_slice %arg4[%dma_wait3A_453] : memref<320000xi32, #tpu.memory_space<hbm>> -> memref<128xi32, #tpu.memory_space<hbm>>
        %dma_wait3A_455 = arith.constant 0 : i32
        %dma_wait3A_456 = tpu.memref_slice %arg4[%dma_wait3A_455] : memref<320000xi32, #tpu.memory_space<hbm>> -> memref<128xi32, #tpu.memory_space<hbm>>
        tpu.wait_dma2 semaphore(%arg19 : memref<!tpu.dma_semaphore, #tpu.memory_space<semaphore_mem>>) src(%dma_wait3A_456 : memref<128xi32, #tpu.memory_space<hbm>>) dst(%arg11 : memref<128xi32, #tpu.memory_space<vmem>>)
        %dma_wait3A_457 = arith.constant 0 : i32
        %dma_wait3A_458 = tpu.memref_slice %arg4[%dma_wait3A_457] : memref<320000xi32, #tpu.memory_space<hbm>> -> memref<128xi32, #tpu.memory_space<hbm>>
        %dma_wait3A_459 = arith.constant 0 : i32
        %dma_wait3A_460 = tpu.memref_slice %arg4[%dma_wait3A_459] : memref<320000xi32, #tpu.memory_space<hbm>> -> memref<128xi32, #tpu.memory_space<hbm>>
        tpu.wait_dma2 semaphore(%arg19 : memref<!tpu.dma_semaphore, #tpu.memory_space<semaphore_mem>>) src(%dma_wait3A_460 : memref<128xi32, #tpu.memory_space<hbm>>) dst(%arg15 : memref<128xi32, #tpu.memory_space<vmem>>)
        %dma_start3A_461 = arith.constant 0 : i32
        %dma_start3A_462 = arith.constant 0 : i32
        %dma_start3A_463 = tpu.memref_slice %arg31[%dma_start3A_461, %dma_start3A_462] : memref<10000x128xf32, #tpu.memory_space<vmem_shared>> -> memref<10000x128xf32, #tpu.memory_space<vmem_shared>>
        tpu.enqueue_indirect_dma source(%dma_start3A_463 : memref<10000x128xf32, #tpu.memory_space<vmem_shared>>) target(%arg9 : memref<128x128xf32, #tpu.memory_space<vmem>>) offsets(%arg11 : memref<128xi32, #tpu.memory_space<vmem>>) semaphore(%arg24 : memref<!tpu.dma_semaphore, #tpu.memory_space<semaphore_mem>>)
      } else {
      }
      %ge3A_247 = arith.constant 1 : i32
      %ge3A_248 = arith.cmpi sge, %add3A_227, %ge3A_247 : i32
      %add3A_249 = arith.constant 1 : i32
      %add3A_250 = arith.addi %select_n3A_3, %add3A_249 : i32
      %lt3A_251 = arith.cmpi slt, %add3A_227, %add3A_250 : i32
      %and3A_252 = arith.andi %ge3A_248, %lt3A_251 : i1
      %convert_element_type3A_253 = arith.extui %and3A_252 : i1 to i32
      %cond3A_254 = arith.constant 0 : i32
      %cond3A_255 = arith.cmpi ne, %convert_element_type3A_253, %cond3A_254 : i32
      scf.if %cond3A_255 {
        %dma_wait3A_448 = arith.constant 0 : i32
        %dma_wait3A_449 = arith.constant 0 : i32
        %dma_wait3A_450 = tpu.memref_slice %arg2[%dma_wait3A_448, %dma_wait3A_449] : memref<10000x128xf32, #tpu.memory_space<hbm>> -> memref<128x128xf32, #tpu.memory_space<hbm>>
        %dma_wait3A_451 = arith.constant 0 : i32
        %dma_wait3A_452 = arith.constant 0 : i32
        %dma_wait3A_453 = tpu.memref_slice %arg2[%dma_wait3A_451, %dma_wait3A_452] : memref<10000x128xf32, #tpu.memory_space<hbm>> -> memref<128x128xf32, #tpu.memory_space<hbm>>
        tpu.wait_dma2 semaphore(%arg23 : memref<!tpu.dma_semaphore, #tpu.memory_space<semaphore_mem>>) src(%dma_wait3A_453 : memref<128x128xf32, #tpu.memory_space<hbm>>) dst(%arg8 : memref<128x128xf32, #tpu.memory_space<vmem>>)
        %dma_start3A_454 = arith.constant 0 : i32
        %dma_start3A_455 = arith.constant 0 : i32
        %dma_start3A_456 = tpu.memref_slice %arg3[%dma_start3A_454, %dma_start3A_455] : memref<10000x128xf32, #tpu.memory_space<hbm>> -> memref<10000x128xf32, #tpu.memory_space<hbm>>
        tpu.enqueue_indirect_dma source(%dma_start3A_456 : memref<10000x128xf32, #tpu.memory_space<hbm>>) target(%arg8 : memref<128x128xf32, #tpu.memory_space<vmem>>) offsets(%arg14 : memref<128xi32, #tpu.memory_space<vmem>>) semaphore(%arg26 : memref<!tpu.dma_semaphore, #tpu.memory_space<semaphore_mem>>) {add = true}
      } else {
      }
      %mul3A_256 = arith.constant 12 : i32
      %mul3A_257 = arith.muli %scan3A_65, %mul3A_256 : i32
      %add3A_258 = arith.constant 6 : i32
      %add3A_259 = arith.addi %mul3A_257, %add3A_258 : i32
      %ge3A_260 = arith.constant 2 : i32
      %ge3A_261 = arith.cmpi sge, %add3A_259, %ge3A_260 : i32
      %add3A_262 = arith.constant 2 : i32
      %add3A_263 = arith.addi %select_n3A_3, %add3A_262 : i32
      %lt3A_264 = arith.cmpi slt, %add3A_259, %add3A_263 : i32
      %and3A_265 = arith.andi %ge3A_261, %lt3A_264 : i1
      %convert_element_type3A_266 = arith.extui %and3A_265 : i1 to i32
      %cond3A_267 = arith.constant 0 : i32
      %cond3A_268 = arith.cmpi ne, %convert_element_type3A_266, %cond3A_267 : i32
      scf.if %cond3A_268 {
        %dma_wait3A_448 = arith.constant 0 : i32
        %dma_wait3A_449 = arith.constant 0 : i32
        %dma_wait3A_450 = tpu.memref_slice %arg2[%dma_wait3A_448, %dma_wait3A_449] : memref<10000x128xf32, #tpu.memory_space<hbm>> -> memref<128x128xf32, #tpu.memory_space<hbm>>
        %dma_wait3A_451 = arith.constant 0 : i32
        %dma_wait3A_452 = arith.constant 0 : i32
        %dma_wait3A_453 = tpu.memref_slice %arg2[%dma_wait3A_451, %dma_wait3A_452] : memref<10000x128xf32, #tpu.memory_space<hbm>> -> memref<128x128xf32, #tpu.memory_space<hbm>>
        tpu.wait_dma2 semaphore(%arg26 : memref<!tpu.dma_semaphore, #tpu.memory_space<semaphore_mem>>) src(%dma_wait3A_453 : memref<128x128xf32, #tpu.memory_space<hbm>>) dst(%arg8 : memref<128x128xf32, #tpu.memory_space<vmem>>)
        %sub3A_454 = arith.constant 2 : i32
        %sub3A_455 = arith.subi %add3A_259, %sub3A_454 : i32
        %mul3A_456 = arith.constant 128 : i32
        %mul3A_457 = arith.muli %sub3A_455, %mul3A_456 : i32
        %add3A_458 = arith.addi %mul3A_13, %mul3A_457 : i32
        %dma_start3A_459 = arith.constant 0 : i32
        %dma_start3A_460 = tpu.memref_slice %arg6[%add3A_458, %dma_start3A_459] : memref<320000x128xf32, #tpu.memory_space<hbm>> -> memref<128x128xf32, #tpu.memory_space<hbm>>
        %dma_start3A_461 = arith.constant 0 : i32
        %dma_start3A_462 = tpu.memref_slice %arg6[%add3A_458, %dma_start3A_461] : memref<320000x128xf32, #tpu.memory_space<hbm>> -> memref<128x128xf32, #tpu.memory_space<hbm>>
        tpu.enqueue_dma source(%arg8 : memref<128x128xf32, #tpu.memory_space<vmem>>) target(%dma_start3A_462 : memref<128x128xf32, #tpu.memory_space<hbm>>) target_semaphore(%arg29 : memref<!tpu.dma_semaphore, #tpu.memory_space<semaphore_mem>>)
      } else {
      }
      %add3A_269 = arith.constant 2 : i32
      %add3A_270 = arith.addi %add3A_259, %add3A_269 : i32
      %lt3A_271 = arith.cmpi slt, %add3A_270, %select_n3A_3 : i32
      %convert_element_type3A_272 = arith.extui %lt3A_271 : i1 to i32
      %cond3A_273 = arith.constant 0 : i32
      %cond3A_274 = arith.cmpi ne, %convert_element_type3A_272, %cond3A_273 : i32
      scf.if %cond3A_274 {
        %add3A_448 = arith.constant 2 : i32
        %add3A_449 = arith.addi %add3A_259, %add3A_448 : i32
        %mul3A_450 = arith.constant 128 : i32
        %mul3A_451 = arith.muli %add3A_449, %mul3A_450 : i32
        %add3A_452 = arith.addi %mul3A_13, %mul3A_451 : i32
        %dma_start3A_453 = tpu.memref_slice %arg4[%add3A_452] : memref<320000xi32, #tpu.memory_space<hbm>> -> memref<128xi32, #tpu.memory_space<hbm>>
        %dma_start3A_454 = tpu.memref_slice %arg4[%add3A_452] : memref<320000xi32, #tpu.memory_space<hbm>> -> memref<128xi32, #tpu.memory_space<hbm>>
        tpu.enqueue_dma source(%dma_start3A_454 : memref<128xi32, #tpu.memory_space<hbm>>) target(%arg10 : memref<128xi32, #tpu.memory_space<vmem>>) target_semaphore(%arg18 : memref<!tpu.dma_semaphore, #tpu.memory_space<semaphore_mem>>)
        %mul3A_455 = arith.constant 128 : i32
        %mul3A_456 = arith.muli %add3A_449, %mul3A_455 : i32
        %add3A_457 = arith.addi %mul3A_13, %mul3A_456 : i32
        %dma_start3A_458 = tpu.memref_slice %arg5[%add3A_457] : memref<320000xi32, #tpu.memory_space<hbm>> -> memref<128xi32, #tpu.memory_space<hbm>>
        %dma_start3A_459 = tpu.memref_slice %arg5[%add3A_457] : memref<320000xi32, #tpu.memory_space<hbm>> -> memref<128xi32, #tpu.memory_space<hbm>>
        tpu.enqueue_dma source(%dma_start3A_459 : memref<128xi32, #tpu.memory_space<hbm>>) target(%arg14 : memref<128xi32, #tpu.memory_space<vmem>>) target_semaphore(%arg18 : memref<!tpu.dma_semaphore, #tpu.memory_space<semaphore_mem>>)
      } else {
      }
      %lt3A_275 = arith.cmpi slt, %add3A_259, %select_n3A_3 : i32
      %convert_element_type3A_276 = arith.extui %lt3A_275 : i1 to i32
      %cond3A_277 = arith.constant 0 : i32
      %cond3A_278 = arith.cmpi ne, %convert_element_type3A_276, %cond3A_277 : i32
      scf.if %cond3A_278 {
        %ge3A_448 = arith.constant 3 : i32
        %ge3A_449 = arith.cmpi sge, %add3A_259, %ge3A_448 : i32
        %convert_element_type3A_450 = arith.extui %ge3A_449 : i1 to i32
        %cond3A_451 = arith.constant 0 : i32
        %cond3A_452 = arith.cmpi ne, %convert_element_type3A_450, %cond3A_451 : i32
        scf.if %cond3A_452 {
          %dma_wait3A_464 = arith.constant 0 : i32
          %dma_wait3A_465 = arith.constant 0 : i32
          %dma_wait3A_466 = tpu.memref_slice %arg2[%dma_wait3A_464, %dma_wait3A_465] : memref<10000x128xf32, #tpu.memory_space<hbm>> -> memref<128x128xf32, #tpu.memory_space<hbm>>
          %dma_wait3A_467 = arith.constant 0 : i32
          %dma_wait3A_468 = arith.constant 0 : i32
          %dma_wait3A_469 = tpu.memref_slice %arg2[%dma_wait3A_467, %dma_wait3A_468] : memref<10000x128xf32, #tpu.memory_space<hbm>> -> memref<128x128xf32, #tpu.memory_space<hbm>>
          tpu.wait_dma2 semaphore(%arg28 : memref<!tpu.dma_semaphore, #tpu.memory_space<semaphore_mem>>) src(%dma_wait3A_469 : memref<128x128xf32, #tpu.memory_space<hbm>>) dst(%arg7 : memref<128x128xf32, #tpu.memory_space<vmem>>)
        } else {
        }
        %dma_wait3A_453 = arith.constant 0 : i32
        %dma_wait3A_454 = tpu.memref_slice %arg4[%dma_wait3A_453] : memref<320000xi32, #tpu.memory_space<hbm>> -> memref<128xi32, #tpu.memory_space<hbm>>
        %dma_wait3A_455 = arith.constant 0 : i32
        %dma_wait3A_456 = tpu.memref_slice %arg4[%dma_wait3A_455] : memref<320000xi32, #tpu.memory_space<hbm>> -> memref<128xi32, #tpu.memory_space<hbm>>
        tpu.wait_dma2 semaphore(%arg20 : memref<!tpu.dma_semaphore, #tpu.memory_space<semaphore_mem>>) src(%dma_wait3A_456 : memref<128xi32, #tpu.memory_space<hbm>>) dst(%arg12 : memref<128xi32, #tpu.memory_space<vmem>>)
        %dma_wait3A_457 = arith.constant 0 : i32
        %dma_wait3A_458 = tpu.memref_slice %arg4[%dma_wait3A_457] : memref<320000xi32, #tpu.memory_space<hbm>> -> memref<128xi32, #tpu.memory_space<hbm>>
        %dma_wait3A_459 = arith.constant 0 : i32
        %dma_wait3A_460 = tpu.memref_slice %arg4[%dma_wait3A_459] : memref<320000xi32, #tpu.memory_space<hbm>> -> memref<128xi32, #tpu.memory_space<hbm>>
        tpu.wait_dma2 semaphore(%arg20 : memref<!tpu.dma_semaphore, #tpu.memory_space<semaphore_mem>>) src(%dma_wait3A_460 : memref<128xi32, #tpu.memory_space<hbm>>) dst(%arg16 : memref<128xi32, #tpu.memory_space<vmem>>)
        %dma_start3A_461 = arith.constant 0 : i32
        %dma_start3A_462 = arith.constant 0 : i32
        %dma_start3A_463 = tpu.memref_slice %arg31[%dma_start3A_461, %dma_start3A_462] : memref<10000x128xf32, #tpu.memory_space<vmem_shared>> -> memref<10000x128xf32, #tpu.memory_space<vmem_shared>>
        tpu.enqueue_indirect_dma source(%dma_start3A_463 : memref<10000x128xf32, #tpu.memory_space<vmem_shared>>) target(%arg7 : memref<128x128xf32, #tpu.memory_space<vmem>>) offsets(%arg12 : memref<128xi32, #tpu.memory_space<vmem>>) semaphore(%arg22 : memref<!tpu.dma_semaphore, #tpu.memory_space<semaphore_mem>>)
      } else {
      }
      %ge3A_279 = arith.constant 1 : i32
      %ge3A_280 = arith.cmpi sge, %add3A_259, %ge3A_279 : i32
      %add3A_281 = arith.constant 1 : i32
      %add3A_282 = arith.addi %select_n3A_3, %add3A_281 : i32
      %lt3A_283 = arith.cmpi slt, %add3A_259, %add3A_282 : i32
      %and3A_284 = arith.andi %ge3A_280, %lt3A_283 : i1
      %convert_element_type3A_285 = arith.extui %and3A_284 : i1 to i32
      %cond3A_286 = arith.constant 0 : i32
      %cond3A_287 = arith.cmpi ne, %convert_element_type3A_285, %cond3A_286 : i32
      scf.if %cond3A_287 {
        %dma_wait3A_448 = arith.constant 0 : i32
        %dma_wait3A_449 = arith.constant 0 : i32
        %dma_wait3A_450 = tpu.memref_slice %arg2[%dma_wait3A_448, %dma_wait3A_449] : memref<10000x128xf32, #tpu.memory_space<hbm>> -> memref<128x128xf32, #tpu.memory_space<hbm>>
        %dma_wait3A_451 = arith.constant 0 : i32
        %dma_wait3A_452 = arith.constant 0 : i32
        %dma_wait3A_453 = tpu.memref_slice %arg2[%dma_wait3A_451, %dma_wait3A_452] : memref<10000x128xf32, #tpu.memory_space<hbm>> -> memref<128x128xf32, #tpu.memory_space<hbm>>
        tpu.wait_dma2 semaphore(%arg24 : memref<!tpu.dma_semaphore, #tpu.memory_space<semaphore_mem>>) src(%dma_wait3A_453 : memref<128x128xf32, #tpu.memory_space<hbm>>) dst(%arg9 : memref<128x128xf32, #tpu.memory_space<vmem>>)
        %dma_start3A_454 = arith.constant 0 : i32
        %dma_start3A_455 = arith.constant 0 : i32
        %dma_start3A_456 = tpu.memref_slice %arg3[%dma_start3A_454, %dma_start3A_455] : memref<10000x128xf32, #tpu.memory_space<hbm>> -> memref<10000x128xf32, #tpu.memory_space<hbm>>
        tpu.enqueue_indirect_dma source(%dma_start3A_456 : memref<10000x128xf32, #tpu.memory_space<hbm>>) target(%arg9 : memref<128x128xf32, #tpu.memory_space<vmem>>) offsets(%arg15 : memref<128xi32, #tpu.memory_space<vmem>>) semaphore(%arg27 : memref<!tpu.dma_semaphore, #tpu.memory_space<semaphore_mem>>) {add = true}
      } else {
      }
      %mul3A_288 = arith.constant 12 : i32
      %mul3A_289 = arith.muli %scan3A_65, %mul3A_288 : i32
      %add3A_290 = arith.constant 7 : i32
      %add3A_291 = arith.addi %mul3A_289, %add3A_290 : i32
      %ge3A_292 = arith.constant 2 : i32
      %ge3A_293 = arith.cmpi sge, %add3A_291, %ge3A_292 : i32
      %add3A_294 = arith.constant 2 : i32
      %add3A_295 = arith.addi %select_n3A_3, %add3A_294 : i32
      %lt3A_296 = arith.cmpi slt, %add3A_291, %add3A_295 : i32
      %and3A_297 = arith.andi %ge3A_293, %lt3A_296 : i1
      %convert_element_type3A_298 = arith.extui %and3A_297 : i1 to i32
      %cond3A_299 = arith.constant 0 : i32
      %cond3A_300 = arith.cmpi ne, %convert_element_type3A_298, %cond3A_299 : i32
      scf.if %cond3A_300 {
        %dma_wait3A_448 = arith.constant 0 : i32
        %dma_wait3A_449 = arith.constant 0 : i32
        %dma_wait3A_450 = tpu.memref_slice %arg2[%dma_wait3A_448, %dma_wait3A_449] : memref<10000x128xf32, #tpu.memory_space<hbm>> -> memref<128x128xf32, #tpu.memory_space<hbm>>
        %dma_wait3A_451 = arith.constant 0 : i32
        %dma_wait3A_452 = arith.constant 0 : i32
        %dma_wait3A_453 = tpu.memref_slice %arg2[%dma_wait3A_451, %dma_wait3A_452] : memref<10000x128xf32, #tpu.memory_space<hbm>> -> memref<128x128xf32, #tpu.memory_space<hbm>>
        tpu.wait_dma2 semaphore(%arg27 : memref<!tpu.dma_semaphore, #tpu.memory_space<semaphore_mem>>) src(%dma_wait3A_453 : memref<128x128xf32, #tpu.memory_space<hbm>>) dst(%arg9 : memref<128x128xf32, #tpu.memory_space<vmem>>)
        %sub3A_454 = arith.constant 2 : i32
        %sub3A_455 = arith.subi %add3A_291, %sub3A_454 : i32
        %mul3A_456 = arith.constant 128 : i32
        %mul3A_457 = arith.muli %sub3A_455, %mul3A_456 : i32
        %add3A_458 = arith.addi %mul3A_13, %mul3A_457 : i32
        %dma_start3A_459 = arith.constant 0 : i32
        %dma_start3A_460 = tpu.memref_slice %arg6[%add3A_458, %dma_start3A_459] : memref<320000x128xf32, #tpu.memory_space<hbm>> -> memref<128x128xf32, #tpu.memory_space<hbm>>
        %dma_start3A_461 = arith.constant 0 : i32
        %dma_start3A_462 = tpu.memref_slice %arg6[%add3A_458, %dma_start3A_461] : memref<320000x128xf32, #tpu.memory_space<hbm>> -> memref<128x128xf32, #tpu.memory_space<hbm>>
        tpu.enqueue_dma source(%arg9 : memref<128x128xf32, #tpu.memory_space<vmem>>) target(%dma_start3A_462 : memref<128x128xf32, #tpu.memory_space<hbm>>) target_semaphore(%arg30 : memref<!tpu.dma_semaphore, #tpu.memory_space<semaphore_mem>>)
      } else {
      }
      %add3A_301 = arith.constant 2 : i32
      %add3A_302 = arith.addi %add3A_291, %add3A_301 : i32
      %lt3A_303 = arith.cmpi slt, %add3A_302, %select_n3A_3 : i32
      %convert_element_type3A_304 = arith.extui %lt3A_303 : i1 to i32
      %cond3A_305 = arith.constant 0 : i32
      %cond3A_306 = arith.cmpi ne, %convert_element_type3A_304, %cond3A_305 : i32
      scf.if %cond3A_306 {
        %add3A_448 = arith.constant 2 : i32
        %add3A_449 = arith.addi %add3A_291, %add3A_448 : i32
        %mul3A_450 = arith.constant 128 : i32
        %mul3A_451 = arith.muli %add3A_449, %mul3A_450 : i32
        %add3A_452 = arith.addi %mul3A_13, %mul3A_451 : i32
        %dma_start3A_453 = tpu.memref_slice %arg4[%add3A_452] : memref<320000xi32, #tpu.memory_space<hbm>> -> memref<128xi32, #tpu.memory_space<hbm>>
        %dma_start3A_454 = tpu.memref_slice %arg4[%add3A_452] : memref<320000xi32, #tpu.memory_space<hbm>> -> memref<128xi32, #tpu.memory_space<hbm>>
        tpu.enqueue_dma source(%dma_start3A_454 : memref<128xi32, #tpu.memory_space<hbm>>) target(%arg11 : memref<128xi32, #tpu.memory_space<vmem>>) target_semaphore(%arg19 : memref<!tpu.dma_semaphore, #tpu.memory_space<semaphore_mem>>)
        %mul3A_455 = arith.constant 128 : i32
        %mul3A_456 = arith.muli %add3A_449, %mul3A_455 : i32
        %add3A_457 = arith.addi %mul3A_13, %mul3A_456 : i32
        %dma_start3A_458 = tpu.memref_slice %arg5[%add3A_457] : memref<320000xi32, #tpu.memory_space<hbm>> -> memref<128xi32, #tpu.memory_space<hbm>>
        %dma_start3A_459 = tpu.memref_slice %arg5[%add3A_457] : memref<320000xi32, #tpu.memory_space<hbm>> -> memref<128xi32, #tpu.memory_space<hbm>>
        tpu.enqueue_dma source(%dma_start3A_459 : memref<128xi32, #tpu.memory_space<hbm>>) target(%arg15 : memref<128xi32, #tpu.memory_space<vmem>>) target_semaphore(%arg19 : memref<!tpu.dma_semaphore, #tpu.memory_space<semaphore_mem>>)
      } else {
      }
      %lt3A_307 = arith.cmpi slt, %add3A_291, %select_n3A_3 : i32
      %convert_element_type3A_308 = arith.extui %lt3A_307 : i1 to i32
      %cond3A_309 = arith.constant 0 : i32
      %cond3A_310 = arith.cmpi ne, %convert_element_type3A_308, %cond3A_309 : i32
      scf.if %cond3A_310 {
        %ge3A_448 = arith.constant 3 : i32
        %ge3A_449 = arith.cmpi sge, %add3A_291, %ge3A_448 : i32
        %convert_element_type3A_450 = arith.extui %ge3A_449 : i1 to i32
        %cond3A_451 = arith.constant 0 : i32
        %cond3A_452 = arith.cmpi ne, %convert_element_type3A_450, %cond3A_451 : i32
        scf.if %cond3A_452 {
          %dma_wait3A_464 = arith.constant 0 : i32
          %dma_wait3A_465 = arith.constant 0 : i32
          %dma_wait3A_466 = tpu.memref_slice %arg2[%dma_wait3A_464, %dma_wait3A_465] : memref<10000x128xf32, #tpu.memory_space<hbm>> -> memref<128x128xf32, #tpu.memory_space<hbm>>
          %dma_wait3A_467 = arith.constant 0 : i32
          %dma_wait3A_468 = arith.constant 0 : i32
          %dma_wait3A_469 = tpu.memref_slice %arg2[%dma_wait3A_467, %dma_wait3A_468] : memref<10000x128xf32, #tpu.memory_space<hbm>> -> memref<128x128xf32, #tpu.memory_space<hbm>>
          tpu.wait_dma2 semaphore(%arg29 : memref<!tpu.dma_semaphore, #tpu.memory_space<semaphore_mem>>) src(%dma_wait3A_469 : memref<128x128xf32, #tpu.memory_space<hbm>>) dst(%arg8 : memref<128x128xf32, #tpu.memory_space<vmem>>)
        } else {
        }
        %dma_wait3A_453 = arith.constant 0 : i32
        %dma_wait3A_454 = tpu.memref_slice %arg4[%dma_wait3A_453] : memref<320000xi32, #tpu.memory_space<hbm>> -> memref<128xi32, #tpu.memory_space<hbm>>
        %dma_wait3A_455 = arith.constant 0 : i32
        %dma_wait3A_456 = tpu.memref_slice %arg4[%dma_wait3A_455] : memref<320000xi32, #tpu.memory_space<hbm>> -> memref<128xi32, #tpu.memory_space<hbm>>
        tpu.wait_dma2 semaphore(%arg21 : memref<!tpu.dma_semaphore, #tpu.memory_space<semaphore_mem>>) src(%dma_wait3A_456 : memref<128xi32, #tpu.memory_space<hbm>>) dst(%arg13 : memref<128xi32, #tpu.memory_space<vmem>>)
        %dma_wait3A_457 = arith.constant 0 : i32
        %dma_wait3A_458 = tpu.memref_slice %arg4[%dma_wait3A_457] : memref<320000xi32, #tpu.memory_space<hbm>> -> memref<128xi32, #tpu.memory_space<hbm>>
        %dma_wait3A_459 = arith.constant 0 : i32
        %dma_wait3A_460 = tpu.memref_slice %arg4[%dma_wait3A_459] : memref<320000xi32, #tpu.memory_space<hbm>> -> memref<128xi32, #tpu.memory_space<hbm>>
        tpu.wait_dma2 semaphore(%arg21 : memref<!tpu.dma_semaphore, #tpu.memory_space<semaphore_mem>>) src(%dma_wait3A_460 : memref<128xi32, #tpu.memory_space<hbm>>) dst(%arg17 : memref<128xi32, #tpu.memory_space<vmem>>)
        %dma_start3A_461 = arith.constant 0 : i32
        %dma_start3A_462 = arith.constant 0 : i32
        %dma_start3A_463 = tpu.memref_slice %arg31[%dma_start3A_461, %dma_start3A_462] : memref<10000x128xf32, #tpu.memory_space<vmem_shared>> -> memref<10000x128xf32, #tpu.memory_space<vmem_shared>>
        tpu.enqueue_indirect_dma source(%dma_start3A_463 : memref<10000x128xf32, #tpu.memory_space<vmem_shared>>) target(%arg8 : memref<128x128xf32, #tpu.memory_space<vmem>>) offsets(%arg13 : memref<128xi32, #tpu.memory_space<vmem>>) semaphore(%arg23 : memref<!tpu.dma_semaphore, #tpu.memory_space<semaphore_mem>>)
      } else {
      }
      %ge3A_311 = arith.constant 1 : i32
      %ge3A_312 = arith.cmpi sge, %add3A_291, %ge3A_311 : i32
      %add3A_313 = arith.constant 1 : i32
      %add3A_314 = arith.addi %select_n3A_3, %add3A_313 : i32
      %lt3A_315 = arith.cmpi slt, %add3A_291, %add3A_314 : i32
      %and3A_316 = arith.andi %ge3A_312, %lt3A_315 : i1
      %convert_element_type3A_317 = arith.extui %and3A_316 : i1 to i32
      %cond3A_318 = arith.constant 0 : i32
      %cond3A_319 = arith.cmpi ne, %convert_element_type3A_317, %cond3A_318 : i32
      scf.if %cond3A_319 {
        %dma_wait3A_448 = arith.constant 0 : i32
        %dma_wait3A_449 = arith.constant 0 : i32
        %dma_wait3A_450 = tpu.memref_slice %arg2[%dma_wait3A_448, %dma_wait3A_449] : memref<10000x128xf32, #tpu.memory_space<hbm>> -> memref<128x128xf32, #tpu.memory_space<hbm>>
        %dma_wait3A_451 = arith.constant 0 : i32
        %dma_wait3A_452 = arith.constant 0 : i32
        %dma_wait3A_453 = tpu.memref_slice %arg2[%dma_wait3A_451, %dma_wait3A_452] : memref<10000x128xf32, #tpu.memory_space<hbm>> -> memref<128x128xf32, #tpu.memory_space<hbm>>
        tpu.wait_dma2 semaphore(%arg22 : memref<!tpu.dma_semaphore, #tpu.memory_space<semaphore_mem>>) src(%dma_wait3A_453 : memref<128x128xf32, #tpu.memory_space<hbm>>) dst(%arg7 : memref<128x128xf32, #tpu.memory_space<vmem>>)
        %dma_start3A_454 = arith.constant 0 : i32
        %dma_start3A_455 = arith.constant 0 : i32
        %dma_start3A_456 = tpu.memref_slice %arg3[%dma_start3A_454, %dma_start3A_455] : memref<10000x128xf32, #tpu.memory_space<hbm>> -> memref<10000x128xf32, #tpu.memory_space<hbm>>
        tpu.enqueue_indirect_dma source(%dma_start3A_456 : memref<10000x128xf32, #tpu.memory_space<hbm>>) target(%arg7 : memref<128x128xf32, #tpu.memory_space<vmem>>) offsets(%arg16 : memref<128xi32, #tpu.memory_space<vmem>>) semaphore(%arg25 : memref<!tpu.dma_semaphore, #tpu.memory_space<semaphore_mem>>) {add = true}
      } else {
      }
      %mul3A_320 = arith.constant 12 : i32
      %mul3A_321 = arith.muli %scan3A_65, %mul3A_320 : i32
      %add3A_322 = arith.constant 8 : i32
      %add3A_323 = arith.addi %mul3A_321, %add3A_322 : i32
      %ge3A_324 = arith.constant 2 : i32
      %ge3A_325 = arith.cmpi sge, %add3A_323, %ge3A_324 : i32
      %add3A_326 = arith.constant 2 : i32
      %add3A_327 = arith.addi %select_n3A_3, %add3A_326 : i32
      %lt3A_328 = arith.cmpi slt, %add3A_323, %add3A_327 : i32
      %and3A_329 = arith.andi %ge3A_325, %lt3A_328 : i1
      %convert_element_type3A_330 = arith.extui %and3A_329 : i1 to i32
      %cond3A_331 = arith.constant 0 : i32
      %cond3A_332 = arith.cmpi ne, %convert_element_type3A_330, %cond3A_331 : i32
      scf.if %cond3A_332 {
        %dma_wait3A_448 = arith.constant 0 : i32
        %dma_wait3A_449 = arith.constant 0 : i32
        %dma_wait3A_450 = tpu.memref_slice %arg2[%dma_wait3A_448, %dma_wait3A_449] : memref<10000x128xf32, #tpu.memory_space<hbm>> -> memref<128x128xf32, #tpu.memory_space<hbm>>
        %dma_wait3A_451 = arith.constant 0 : i32
        %dma_wait3A_452 = arith.constant 0 : i32
        %dma_wait3A_453 = tpu.memref_slice %arg2[%dma_wait3A_451, %dma_wait3A_452] : memref<10000x128xf32, #tpu.memory_space<hbm>> -> memref<128x128xf32, #tpu.memory_space<hbm>>
        tpu.wait_dma2 semaphore(%arg25 : memref<!tpu.dma_semaphore, #tpu.memory_space<semaphore_mem>>) src(%dma_wait3A_453 : memref<128x128xf32, #tpu.memory_space<hbm>>) dst(%arg7 : memref<128x128xf32, #tpu.memory_space<vmem>>)
        %sub3A_454 = arith.constant 2 : i32
        %sub3A_455 = arith.subi %add3A_323, %sub3A_454 : i32
        %mul3A_456 = arith.constant 128 : i32
        %mul3A_457 = arith.muli %sub3A_455, %mul3A_456 : i32
        %add3A_458 = arith.addi %mul3A_13, %mul3A_457 : i32
        %dma_start3A_459 = arith.constant 0 : i32
        %dma_start3A_460 = tpu.memref_slice %arg6[%add3A_458, %dma_start3A_459] : memref<320000x128xf32, #tpu.memory_space<hbm>> -> memref<128x128xf32, #tpu.memory_space<hbm>>
        %dma_start3A_461 = arith.constant 0 : i32
        %dma_start3A_462 = tpu.memref_slice %arg6[%add3A_458, %dma_start3A_461] : memref<320000x128xf32, #tpu.memory_space<hbm>> -> memref<128x128xf32, #tpu.memory_space<hbm>>
        tpu.enqueue_dma source(%arg7 : memref<128x128xf32, #tpu.memory_space<vmem>>) target(%dma_start3A_462 : memref<128x128xf32, #tpu.memory_space<hbm>>) target_semaphore(%arg28 : memref<!tpu.dma_semaphore, #tpu.memory_space<semaphore_mem>>)
      } else {
      }
      %add3A_333 = arith.constant 2 : i32
      %add3A_334 = arith.addi %add3A_323, %add3A_333 : i32
      %lt3A_335 = arith.cmpi slt, %add3A_334, %select_n3A_3 : i32
      %convert_element_type3A_336 = arith.extui %lt3A_335 : i1 to i32
      %cond3A_337 = arith.constant 0 : i32
      %cond3A_338 = arith.cmpi ne, %convert_element_type3A_336, %cond3A_337 : i32
      scf.if %cond3A_338 {
        %add3A_448 = arith.constant 2 : i32
        %add3A_449 = arith.addi %add3A_323, %add3A_448 : i32
        %mul3A_450 = arith.constant 128 : i32
        %mul3A_451 = arith.muli %add3A_449, %mul3A_450 : i32
        %add3A_452 = arith.addi %mul3A_13, %mul3A_451 : i32
        %dma_start3A_453 = tpu.memref_slice %arg4[%add3A_452] : memref<320000xi32, #tpu.memory_space<hbm>> -> memref<128xi32, #tpu.memory_space<hbm>>
        %dma_start3A_454 = tpu.memref_slice %arg4[%add3A_452] : memref<320000xi32, #tpu.memory_space<hbm>> -> memref<128xi32, #tpu.memory_space<hbm>>
        tpu.enqueue_dma source(%dma_start3A_454 : memref<128xi32, #tpu.memory_space<hbm>>) target(%arg12 : memref<128xi32, #tpu.memory_space<vmem>>) target_semaphore(%arg20 : memref<!tpu.dma_semaphore, #tpu.memory_space<semaphore_mem>>)
        %mul3A_455 = arith.constant 128 : i32
        %mul3A_456 = arith.muli %add3A_449, %mul3A_455 : i32
        %add3A_457 = arith.addi %mul3A_13, %mul3A_456 : i32
        %dma_start3A_458 = tpu.memref_slice %arg5[%add3A_457] : memref<320000xi32, #tpu.memory_space<hbm>> -> memref<128xi32, #tpu.memory_space<hbm>>
        %dma_start3A_459 = tpu.memref_slice %arg5[%add3A_457] : memref<320000xi32, #tpu.memory_space<hbm>> -> memref<128xi32, #tpu.memory_space<hbm>>
        tpu.enqueue_dma source(%dma_start3A_459 : memref<128xi32, #tpu.memory_space<hbm>>) target(%arg16 : memref<128xi32, #tpu.memory_space<vmem>>) target_semaphore(%arg20 : memref<!tpu.dma_semaphore, #tpu.memory_space<semaphore_mem>>)
      } else {
      }
      %lt3A_339 = arith.cmpi slt, %add3A_323, %select_n3A_3 : i32
      %convert_element_type3A_340 = arith.extui %lt3A_339 : i1 to i32
      %cond3A_341 = arith.constant 0 : i32
      %cond3A_342 = arith.cmpi ne, %convert_element_type3A_340, %cond3A_341 : i32
      scf.if %cond3A_342 {
        %ge3A_448 = arith.constant 3 : i32
        %ge3A_449 = arith.cmpi sge, %add3A_323, %ge3A_448 : i32
        %convert_element_type3A_450 = arith.extui %ge3A_449 : i1 to i32
        %cond3A_451 = arith.constant 0 : i32
        %cond3A_452 = arith.cmpi ne, %convert_element_type3A_450, %cond3A_451 : i32
        scf.if %cond3A_452 {
          %dma_wait3A_464 = arith.constant 0 : i32
          %dma_wait3A_465 = arith.constant 0 : i32
          %dma_wait3A_466 = tpu.memref_slice %arg2[%dma_wait3A_464, %dma_wait3A_465] : memref<10000x128xf32, #tpu.memory_space<hbm>> -> memref<128x128xf32, #tpu.memory_space<hbm>>
          %dma_wait3A_467 = arith.constant 0 : i32
          %dma_wait3A_468 = arith.constant 0 : i32
          %dma_wait3A_469 = tpu.memref_slice %arg2[%dma_wait3A_467, %dma_wait3A_468] : memref<10000x128xf32, #tpu.memory_space<hbm>> -> memref<128x128xf32, #tpu.memory_space<hbm>>
          tpu.wait_dma2 semaphore(%arg30 : memref<!tpu.dma_semaphore, #tpu.memory_space<semaphore_mem>>) src(%dma_wait3A_469 : memref<128x128xf32, #tpu.memory_space<hbm>>) dst(%arg9 : memref<128x128xf32, #tpu.memory_space<vmem>>)
        } else {
        }
        %dma_wait3A_453 = arith.constant 0 : i32
        %dma_wait3A_454 = tpu.memref_slice %arg4[%dma_wait3A_453] : memref<320000xi32, #tpu.memory_space<hbm>> -> memref<128xi32, #tpu.memory_space<hbm>>
        %dma_wait3A_455 = arith.constant 0 : i32
        %dma_wait3A_456 = tpu.memref_slice %arg4[%dma_wait3A_455] : memref<320000xi32, #tpu.memory_space<hbm>> -> memref<128xi32, #tpu.memory_space<hbm>>
        tpu.wait_dma2 semaphore(%arg18 : memref<!tpu.dma_semaphore, #tpu.memory_space<semaphore_mem>>) src(%dma_wait3A_456 : memref<128xi32, #tpu.memory_space<hbm>>) dst(%arg10 : memref<128xi32, #tpu.memory_space<vmem>>)
        %dma_wait3A_457 = arith.constant 0 : i32
        %dma_wait3A_458 = tpu.memref_slice %arg4[%dma_wait3A_457] : memref<320000xi32, #tpu.memory_space<hbm>> -> memref<128xi32, #tpu.memory_space<hbm>>
        %dma_wait3A_459 = arith.constant 0 : i32
        %dma_wait3A_460 = tpu.memref_slice %arg4[%dma_wait3A_459] : memref<320000xi32, #tpu.memory_space<hbm>> -> memref<128xi32, #tpu.memory_space<hbm>>
        tpu.wait_dma2 semaphore(%arg18 : memref<!tpu.dma_semaphore, #tpu.memory_space<semaphore_mem>>) src(%dma_wait3A_460 : memref<128xi32, #tpu.memory_space<hbm>>) dst(%arg14 : memref<128xi32, #tpu.memory_space<vmem>>)
        %dma_start3A_461 = arith.constant 0 : i32
        %dma_start3A_462 = arith.constant 0 : i32
        %dma_start3A_463 = tpu.memref_slice %arg31[%dma_start3A_461, %dma_start3A_462] : memref<10000x128xf32, #tpu.memory_space<vmem_shared>> -> memref<10000x128xf32, #tpu.memory_space<vmem_shared>>
        tpu.enqueue_indirect_dma source(%dma_start3A_463 : memref<10000x128xf32, #tpu.memory_space<vmem_shared>>) target(%arg9 : memref<128x128xf32, #tpu.memory_space<vmem>>) offsets(%arg10 : memref<128xi32, #tpu.memory_space<vmem>>) semaphore(%arg24 : memref<!tpu.dma_semaphore, #tpu.memory_space<semaphore_mem>>)
      } else {
      }
      %ge3A_343 = arith.constant 1 : i32
      %ge3A_344 = arith.cmpi sge, %add3A_323, %ge3A_343 : i32
      %add3A_345 = arith.constant 1 : i32
      %add3A_346 = arith.addi %select_n3A_3, %add3A_345 : i32
      %lt3A_347 = arith.cmpi slt, %add3A_323, %add3A_346 : i32
      %and3A_348 = arith.andi %ge3A_344, %lt3A_347 : i1
      %convert_element_type3A_349 = arith.extui %and3A_348 : i1 to i32
      %cond3A_350 = arith.constant 0 : i32
      %cond3A_351 = arith.cmpi ne, %convert_element_type3A_349, %cond3A_350 : i32
      scf.if %cond3A_351 {
        %dma_wait3A_448 = arith.constant 0 : i32
        %dma_wait3A_449 = arith.constant 0 : i32
        %dma_wait3A_450 = tpu.memref_slice %arg2[%dma_wait3A_448, %dma_wait3A_449] : memref<10000x128xf32, #tpu.memory_space<hbm>> -> memref<128x128xf32, #tpu.memory_space<hbm>>
        %dma_wait3A_451 = arith.constant 0 : i32
        %dma_wait3A_452 = arith.constant 0 : i32
        %dma_wait3A_453 = tpu.memref_slice %arg2[%dma_wait3A_451, %dma_wait3A_452] : memref<10000x128xf32, #tpu.memory_space<hbm>> -> memref<128x128xf32, #tpu.memory_space<hbm>>
        tpu.wait_dma2 semaphore(%arg23 : memref<!tpu.dma_semaphore, #tpu.memory_space<semaphore_mem>>) src(%dma_wait3A_453 : memref<128x128xf32, #tpu.memory_space<hbm>>) dst(%arg8 : memref<128x128xf32, #tpu.memory_space<vmem>>)
        %dma_start3A_454 = arith.constant 0 : i32
        %dma_start3A_455 = arith.constant 0 : i32
        %dma_start3A_456 = tpu.memref_slice %arg3[%dma_start3A_454, %dma_start3A_455] : memref<10000x128xf32, #tpu.memory_space<hbm>> -> memref<10000x128xf32, #tpu.memory_space<hbm>>
        tpu.enqueue_indirect_dma source(%dma_start3A_456 : memref<10000x128xf32, #tpu.memory_space<hbm>>) target(%arg8 : memref<128x128xf32, #tpu.memory_space<vmem>>) offsets(%arg17 : memref<128xi32, #tpu.memory_space<vmem>>) semaphore(%arg26 : memref<!tpu.dma_semaphore, #tpu.memory_space<semaphore_mem>>) {add = true}
      } else {
      }
      %mul3A_352 = arith.constant 12 : i32
      %mul3A_353 = arith.muli %scan3A_65, %mul3A_352 : i32
      %add3A_354 = arith.constant 9 : i32
      %add3A_355 = arith.addi %mul3A_353, %add3A_354 : i32
      %ge3A_356 = arith.constant 2 : i32
      %ge3A_357 = arith.cmpi sge, %add3A_355, %ge3A_356 : i32
      %add3A_358 = arith.constant 2 : i32
      %add3A_359 = arith.addi %select_n3A_3, %add3A_358 : i32
      %lt3A_360 = arith.cmpi slt, %add3A_355, %add3A_359 : i32
      %and3A_361 = arith.andi %ge3A_357, %lt3A_360 : i1
      %convert_element_type3A_362 = arith.extui %and3A_361 : i1 to i32
      %cond3A_363 = arith.constant 0 : i32
      %cond3A_364 = arith.cmpi ne, %convert_element_type3A_362, %cond3A_363 : i32
      scf.if %cond3A_364 {
        %dma_wait3A_448 = arith.constant 0 : i32
        %dma_wait3A_449 = arith.constant 0 : i32
        %dma_wait3A_450 = tpu.memref_slice %arg2[%dma_wait3A_448, %dma_wait3A_449] : memref<10000x128xf32, #tpu.memory_space<hbm>> -> memref<128x128xf32, #tpu.memory_space<hbm>>
        %dma_wait3A_451 = arith.constant 0 : i32
        %dma_wait3A_452 = arith.constant 0 : i32
        %dma_wait3A_453 = tpu.memref_slice %arg2[%dma_wait3A_451, %dma_wait3A_452] : memref<10000x128xf32, #tpu.memory_space<hbm>> -> memref<128x128xf32, #tpu.memory_space<hbm>>
        tpu.wait_dma2 semaphore(%arg26 : memref<!tpu.dma_semaphore, #tpu.memory_space<semaphore_mem>>) src(%dma_wait3A_453 : memref<128x128xf32, #tpu.memory_space<hbm>>) dst(%arg8 : memref<128x128xf32, #tpu.memory_space<vmem>>)
        %sub3A_454 = arith.constant 2 : i32
        %sub3A_455 = arith.subi %add3A_355, %sub3A_454 : i32
        %mul3A_456 = arith.constant 128 : i32
        %mul3A_457 = arith.muli %sub3A_455, %mul3A_456 : i32
        %add3A_458 = arith.addi %mul3A_13, %mul3A_457 : i32
        %dma_start3A_459 = arith.constant 0 : i32
        %dma_start3A_460 = tpu.memref_slice %arg6[%add3A_458, %dma_start3A_459] : memref<320000x128xf32, #tpu.memory_space<hbm>> -> memref<128x128xf32, #tpu.memory_space<hbm>>
        %dma_start3A_461 = arith.constant 0 : i32
        %dma_start3A_462 = tpu.memref_slice %arg6[%add3A_458, %dma_start3A_461] : memref<320000x128xf32, #tpu.memory_space<hbm>> -> memref<128x128xf32, #tpu.memory_space<hbm>>
        tpu.enqueue_dma source(%arg8 : memref<128x128xf32, #tpu.memory_space<vmem>>) target(%dma_start3A_462 : memref<128x128xf32, #tpu.memory_space<hbm>>) target_semaphore(%arg29 : memref<!tpu.dma_semaphore, #tpu.memory_space<semaphore_mem>>)
      } else {
      }
      %add3A_365 = arith.constant 2 : i32
      %add3A_366 = arith.addi %add3A_355, %add3A_365 : i32
      %lt3A_367 = arith.cmpi slt, %add3A_366, %select_n3A_3 : i32
      %convert_element_type3A_368 = arith.extui %lt3A_367 : i1 to i32
      %cond3A_369 = arith.constant 0 : i32
      %cond3A_370 = arith.cmpi ne, %convert_element_type3A_368, %cond3A_369 : i32
      scf.if %cond3A_370 {
        %add3A_448 = arith.constant 2 : i32
        %add3A_449 = arith.addi %add3A_355, %add3A_448 : i32
        %mul3A_450 = arith.constant 128 : i32
        %mul3A_451 = arith.muli %add3A_449, %mul3A_450 : i32
        %add3A_452 = arith.addi %mul3A_13, %mul3A_451 : i32
        %dma_start3A_453 = tpu.memref_slice %arg4[%add3A_452] : memref<320000xi32, #tpu.memory_space<hbm>> -> memref<128xi32, #tpu.memory_space<hbm>>
        %dma_start3A_454 = tpu.memref_slice %arg4[%add3A_452] : memref<320000xi32, #tpu.memory_space<hbm>> -> memref<128xi32, #tpu.memory_space<hbm>>
        tpu.enqueue_dma source(%dma_start3A_454 : memref<128xi32, #tpu.memory_space<hbm>>) target(%arg13 : memref<128xi32, #tpu.memory_space<vmem>>) target_semaphore(%arg21 : memref<!tpu.dma_semaphore, #tpu.memory_space<semaphore_mem>>)
        %mul3A_455 = arith.constant 128 : i32
        %mul3A_456 = arith.muli %add3A_449, %mul3A_455 : i32
        %add3A_457 = arith.addi %mul3A_13, %mul3A_456 : i32
        %dma_start3A_458 = tpu.memref_slice %arg5[%add3A_457] : memref<320000xi32, #tpu.memory_space<hbm>> -> memref<128xi32, #tpu.memory_space<hbm>>
        %dma_start3A_459 = tpu.memref_slice %arg5[%add3A_457] : memref<320000xi32, #tpu.memory_space<hbm>> -> memref<128xi32, #tpu.memory_space<hbm>>
        tpu.enqueue_dma source(%dma_start3A_459 : memref<128xi32, #tpu.memory_space<hbm>>) target(%arg17 : memref<128xi32, #tpu.memory_space<vmem>>) target_semaphore(%arg21 : memref<!tpu.dma_semaphore, #tpu.memory_space<semaphore_mem>>)
      } else {
      }
      %lt3A_371 = arith.cmpi slt, %add3A_355, %select_n3A_3 : i32
      %convert_element_type3A_372 = arith.extui %lt3A_371 : i1 to i32
      %cond3A_373 = arith.constant 0 : i32
      %cond3A_374 = arith.cmpi ne, %convert_element_type3A_372, %cond3A_373 : i32
      scf.if %cond3A_374 {
        %ge3A_448 = arith.constant 3 : i32
        %ge3A_449 = arith.cmpi sge, %add3A_355, %ge3A_448 : i32
        %convert_element_type3A_450 = arith.extui %ge3A_449 : i1 to i32
        %cond3A_451 = arith.constant 0 : i32
        %cond3A_452 = arith.cmpi ne, %convert_element_type3A_450, %cond3A_451 : i32
        scf.if %cond3A_452 {
          %dma_wait3A_464 = arith.constant 0 : i32
          %dma_wait3A_465 = arith.constant 0 : i32
          %dma_wait3A_466 = tpu.memref_slice %arg2[%dma_wait3A_464, %dma_wait3A_465] : memref<10000x128xf32, #tpu.memory_space<hbm>> -> memref<128x128xf32, #tpu.memory_space<hbm>>
          %dma_wait3A_467 = arith.constant 0 : i32
          %dma_wait3A_468 = arith.constant 0 : i32
          %dma_wait3A_469 = tpu.memref_slice %arg2[%dma_wait3A_467, %dma_wait3A_468] : memref<10000x128xf32, #tpu.memory_space<hbm>> -> memref<128x128xf32, #tpu.memory_space<hbm>>
          tpu.wait_dma2 semaphore(%arg28 : memref<!tpu.dma_semaphore, #tpu.memory_space<semaphore_mem>>) src(%dma_wait3A_469 : memref<128x128xf32, #tpu.memory_space<hbm>>) dst(%arg7 : memref<128x128xf32, #tpu.memory_space<vmem>>)
        } else {
        }
        %dma_wait3A_453 = arith.constant 0 : i32
        %dma_wait3A_454 = tpu.memref_slice %arg4[%dma_wait3A_453] : memref<320000xi32, #tpu.memory_space<hbm>> -> memref<128xi32, #tpu.memory_space<hbm>>
        %dma_wait3A_455 = arith.constant 0 : i32
        %dma_wait3A_456 = tpu.memref_slice %arg4[%dma_wait3A_455] : memref<320000xi32, #tpu.memory_space<hbm>> -> memref<128xi32, #tpu.memory_space<hbm>>
        tpu.wait_dma2 semaphore(%arg19 : memref<!tpu.dma_semaphore, #tpu.memory_space<semaphore_mem>>) src(%dma_wait3A_456 : memref<128xi32, #tpu.memory_space<hbm>>) dst(%arg11 : memref<128xi32, #tpu.memory_space<vmem>>)
        %dma_wait3A_457 = arith.constant 0 : i32
        %dma_wait3A_458 = tpu.memref_slice %arg4[%dma_wait3A_457] : memref<320000xi32, #tpu.memory_space<hbm>> -> memref<128xi32, #tpu.memory_space<hbm>>
        %dma_wait3A_459 = arith.constant 0 : i32
        %dma_wait3A_460 = tpu.memref_slice %arg4[%dma_wait3A_459] : memref<320000xi32, #tpu.memory_space<hbm>> -> memref<128xi32, #tpu.memory_space<hbm>>
        tpu.wait_dma2 semaphore(%arg19 : memref<!tpu.dma_semaphore, #tpu.memory_space<semaphore_mem>>) src(%dma_wait3A_460 : memref<128xi32, #tpu.memory_space<hbm>>) dst(%arg15 : memref<128xi32, #tpu.memory_space<vmem>>)
        %dma_start3A_461 = arith.constant 0 : i32
        %dma_start3A_462 = arith.constant 0 : i32
        %dma_start3A_463 = tpu.memref_slice %arg31[%dma_start3A_461, %dma_start3A_462] : memref<10000x128xf32, #tpu.memory_space<vmem_shared>> -> memref<10000x128xf32, #tpu.memory_space<vmem_shared>>
        tpu.enqueue_indirect_dma source(%dma_start3A_463 : memref<10000x128xf32, #tpu.memory_space<vmem_shared>>) target(%arg7 : memref<128x128xf32, #tpu.memory_space<vmem>>) offsets(%arg11 : memref<128xi32, #tpu.memory_space<vmem>>) semaphore(%arg22 : memref<!tpu.dma_semaphore, #tpu.memory_space<semaphore_mem>>)
      } else {
      }
      %ge3A_375 = arith.constant 1 : i32
      %ge3A_376 = arith.cmpi sge, %add3A_355, %ge3A_375 : i32
      %add3A_377 = arith.constant 1 : i32
      %add3A_378 = arith.addi %select_n3A_3, %add3A_377 : i32
      %lt3A_379 = arith.cmpi slt, %add3A_355, %add3A_378 : i32
      %and3A_380 = arith.andi %ge3A_376, %lt3A_379 : i1
      %convert_element_type3A_381 = arith.extui %and3A_380 : i1 to i32
      %cond3A_382 = arith.constant 0 : i32
      %cond3A_383 = arith.cmpi ne, %convert_element_type3A_381, %cond3A_382 : i32
      scf.if %cond3A_383 {
        %dma_wait3A_448 = arith.constant 0 : i32
        %dma_wait3A_449 = arith.constant 0 : i32
        %dma_wait3A_450 = tpu.memref_slice %arg2[%dma_wait3A_448, %dma_wait3A_449] : memref<10000x128xf32, #tpu.memory_space<hbm>> -> memref<128x128xf32, #tpu.memory_space<hbm>>
        %dma_wait3A_451 = arith.constant 0 : i32
        %dma_wait3A_452 = arith.constant 0 : i32
        %dma_wait3A_453 = tpu.memref_slice %arg2[%dma_wait3A_451, %dma_wait3A_452] : memref<10000x128xf32, #tpu.memory_space<hbm>> -> memref<128x128xf32, #tpu.memory_space<hbm>>
        tpu.wait_dma2 semaphore(%arg24 : memref<!tpu.dma_semaphore, #tpu.memory_space<semaphore_mem>>) src(%dma_wait3A_453 : memref<128x128xf32, #tpu.memory_space<hbm>>) dst(%arg9 : memref<128x128xf32, #tpu.memory_space<vmem>>)
        %dma_start3A_454 = arith.constant 0 : i32
        %dma_start3A_455 = arith.constant 0 : i32
        %dma_start3A_456 = tpu.memref_slice %arg3[%dma_start3A_454, %dma_start3A_455] : memref<10000x128xf32, #tpu.memory_space<hbm>> -> memref<10000x128xf32, #tpu.memory_space<hbm>>
        tpu.enqueue_indirect_dma source(%dma_start3A_456 : memref<10000x128xf32, #tpu.memory_space<hbm>>) target(%arg9 : memref<128x128xf32, #tpu.memory_space<vmem>>) offsets(%arg14 : memref<128xi32, #tpu.memory_space<vmem>>) semaphore(%arg27 : memref<!tpu.dma_semaphore, #tpu.memory_space<semaphore_mem>>) {add = true}
      } else {
      }
      %mul3A_384 = arith.constant 12 : i32
      %mul3A_385 = arith.muli %scan3A_65, %mul3A_384 : i32
      %add3A_386 = arith.constant 10 : i32
      %add3A_387 = arith.addi %mul3A_385, %add3A_386 : i32
      %ge3A_388 = arith.constant 2 : i32
      %ge3A_389 = arith.cmpi sge, %add3A_387, %ge3A_388 : i32
      %add3A_390 = arith.constant 2 : i32
      %add3A_391 = arith.addi %select_n3A_3, %add3A_390 : i32
      %lt3A_392 = arith.cmpi slt, %add3A_387, %add3A_391 : i32
      %and3A_393 = arith.andi %ge3A_389, %lt3A_392 : i1
      %convert_element_type3A_394 = arith.extui %and3A_393 : i1 to i32
      %cond3A_395 = arith.constant 0 : i32
      %cond3A_396 = arith.cmpi ne, %convert_element_type3A_394, %cond3A_395 : i32
      scf.if %cond3A_396 {
        %dma_wait3A_448 = arith.constant 0 : i32
        %dma_wait3A_449 = arith.constant 0 : i32
        %dma_wait3A_450 = tpu.memref_slice %arg2[%dma_wait3A_448, %dma_wait3A_449] : memref<10000x128xf32, #tpu.memory_space<hbm>> -> memref<128x128xf32, #tpu.memory_space<hbm>>
        %dma_wait3A_451 = arith.constant 0 : i32
        %dma_wait3A_452 = arith.constant 0 : i32
        %dma_wait3A_453 = tpu.memref_slice %arg2[%dma_wait3A_451, %dma_wait3A_452] : memref<10000x128xf32, #tpu.memory_space<hbm>> -> memref<128x128xf32, #tpu.memory_space<hbm>>
        tpu.wait_dma2 semaphore(%arg27 : memref<!tpu.dma_semaphore, #tpu.memory_space<semaphore_mem>>) src(%dma_wait3A_453 : memref<128x128xf32, #tpu.memory_space<hbm>>) dst(%arg9 : memref<128x128xf32, #tpu.memory_space<vmem>>)
        %sub3A_454 = arith.constant 2 : i32
        %sub3A_455 = arith.subi %add3A_387, %sub3A_454 : i32
        %mul3A_456 = arith.constant 128 : i32
        %mul3A_457 = arith.muli %sub3A_455, %mul3A_456 : i32
        %add3A_458 = arith.addi %mul3A_13, %mul3A_457 : i32
        %dma_start3A_459 = arith.constant 0 : i32
        %dma_start3A_460 = tpu.memref_slice %arg6[%add3A_458, %dma_start3A_459] : memref<320000x128xf32, #tpu.memory_space<hbm>> -> memref<128x128xf32, #tpu.memory_space<hbm>>
        %dma_start3A_461 = arith.constant 0 : i32
        %dma_start3A_462 = tpu.memref_slice %arg6[%add3A_458, %dma_start3A_461] : memref<320000x128xf32, #tpu.memory_space<hbm>> -> memref<128x128xf32, #tpu.memory_space<hbm>>
        tpu.enqueue_dma source(%arg9 : memref<128x128xf32, #tpu.memory_space<vmem>>) target(%dma_start3A_462 : memref<128x128xf32, #tpu.memory_space<hbm>>) target_semaphore(%arg30 : memref<!tpu.dma_semaphore, #tpu.memory_space<semaphore_mem>>)
      } else {
      }
      %add3A_397 = arith.constant 2 : i32
      %add3A_398 = arith.addi %add3A_387, %add3A_397 : i32
      %lt3A_399 = arith.cmpi slt, %add3A_398, %select_n3A_3 : i32
      %convert_element_type3A_400 = arith.extui %lt3A_399 : i1 to i32
      %cond3A_401 = arith.constant 0 : i32
      %cond3A_402 = arith.cmpi ne, %convert_element_type3A_400, %cond3A_401 : i32
      scf.if %cond3A_402 {
        %add3A_448 = arith.constant 2 : i32
        %add3A_449 = arith.addi %add3A_387, %add3A_448 : i32
        %mul3A_450 = arith.constant 128 : i32
        %mul3A_451 = arith.muli %add3A_449, %mul3A_450 : i32
        %add3A_452 = arith.addi %mul3A_13, %mul3A_451 : i32
        %dma_start3A_453 = tpu.memref_slice %arg4[%add3A_452] : memref<320000xi32, #tpu.memory_space<hbm>> -> memref<128xi32, #tpu.memory_space<hbm>>
        %dma_start3A_454 = tpu.memref_slice %arg4[%add3A_452] : memref<320000xi32, #tpu.memory_space<hbm>> -> memref<128xi32, #tpu.memory_space<hbm>>
        tpu.enqueue_dma source(%dma_start3A_454 : memref<128xi32, #tpu.memory_space<hbm>>) target(%arg10 : memref<128xi32, #tpu.memory_space<vmem>>) target_semaphore(%arg18 : memref<!tpu.dma_semaphore, #tpu.memory_space<semaphore_mem>>)
        %mul3A_455 = arith.constant 128 : i32
        %mul3A_456 = arith.muli %add3A_449, %mul3A_455 : i32
        %add3A_457 = arith.addi %mul3A_13, %mul3A_456 : i32
        %dma_start3A_458 = tpu.memref_slice %arg5[%add3A_457] : memref<320000xi32, #tpu.memory_space<hbm>> -> memref<128xi32, #tpu.memory_space<hbm>>
        %dma_start3A_459 = tpu.memref_slice %arg5[%add3A_457] : memref<320000xi32, #tpu.memory_space<hbm>> -> memref<128xi32, #tpu.memory_space<hbm>>
        tpu.enqueue_dma source(%dma_start3A_459 : memref<128xi32, #tpu.memory_space<hbm>>) target(%arg14 : memref<128xi32, #tpu.memory_space<vmem>>) target_semaphore(%arg18 : memref<!tpu.dma_semaphore, #tpu.memory_space<semaphore_mem>>)
      } else {
      }
      %lt3A_403 = arith.cmpi slt, %add3A_387, %select_n3A_3 : i32
      %convert_element_type3A_404 = arith.extui %lt3A_403 : i1 to i32
      %cond3A_405 = arith.constant 0 : i32
      %cond3A_406 = arith.cmpi ne, %convert_element_type3A_404, %cond3A_405 : i32
      scf.if %cond3A_406 {
        %ge3A_448 = arith.constant 3 : i32
        %ge3A_449 = arith.cmpi sge, %add3A_387, %ge3A_448 : i32
        %convert_element_type3A_450 = arith.extui %ge3A_449 : i1 to i32
        %cond3A_451 = arith.constant 0 : i32
        %cond3A_452 = arith.cmpi ne, %convert_element_type3A_450, %cond3A_451 : i32
        scf.if %cond3A_452 {
          %dma_wait3A_464 = arith.constant 0 : i32
          %dma_wait3A_465 = arith.constant 0 : i32
          %dma_wait3A_466 = tpu.memref_slice %arg2[%dma_wait3A_464, %dma_wait3A_465] : memref<10000x128xf32, #tpu.memory_space<hbm>> -> memref<128x128xf32, #tpu.memory_space<hbm>>
          %dma_wait3A_467 = arith.constant 0 : i32
          %dma_wait3A_468 = arith.constant 0 : i32
          %dma_wait3A_469 = tpu.memref_slice %arg2[%dma_wait3A_467, %dma_wait3A_468] : memref<10000x128xf32, #tpu.memory_space<hbm>> -> memref<128x128xf32, #tpu.memory_space<hbm>>
          tpu.wait_dma2 semaphore(%arg29 : memref<!tpu.dma_semaphore, #tpu.memory_space<semaphore_mem>>) src(%dma_wait3A_469 : memref<128x128xf32, #tpu.memory_space<hbm>>) dst(%arg8 : memref<128x128xf32, #tpu.memory_space<vmem>>)
        } else {
        }
        %dma_wait3A_453 = arith.constant 0 : i32
        %dma_wait3A_454 = tpu.memref_slice %arg4[%dma_wait3A_453] : memref<320000xi32, #tpu.memory_space<hbm>> -> memref<128xi32, #tpu.memory_space<hbm>>
        %dma_wait3A_455 = arith.constant 0 : i32
        %dma_wait3A_456 = tpu.memref_slice %arg4[%dma_wait3A_455] : memref<320000xi32, #tpu.memory_space<hbm>> -> memref<128xi32, #tpu.memory_space<hbm>>
        tpu.wait_dma2 semaphore(%arg20 : memref<!tpu.dma_semaphore, #tpu.memory_space<semaphore_mem>>) src(%dma_wait3A_456 : memref<128xi32, #tpu.memory_space<hbm>>) dst(%arg12 : memref<128xi32, #tpu.memory_space<vmem>>)
        %dma_wait3A_457 = arith.constant 0 : i32
        %dma_wait3A_458 = tpu.memref_slice %arg4[%dma_wait3A_457] : memref<320000xi32, #tpu.memory_space<hbm>> -> memref<128xi32, #tpu.memory_space<hbm>>
        %dma_wait3A_459 = arith.constant 0 : i32
        %dma_wait3A_460 = tpu.memref_slice %arg4[%dma_wait3A_459] : memref<320000xi32, #tpu.memory_space<hbm>> -> memref<128xi32, #tpu.memory_space<hbm>>
        tpu.wait_dma2 semaphore(%arg20 : memref<!tpu.dma_semaphore, #tpu.memory_space<semaphore_mem>>) src(%dma_wait3A_460 : memref<128xi32, #tpu.memory_space<hbm>>) dst(%arg16 : memref<128xi32, #tpu.memory_space<vmem>>)
        %dma_start3A_461 = arith.constant 0 : i32
        %dma_start3A_462 = arith.constant 0 : i32
        %dma_start3A_463 = tpu.memref_slice %arg31[%dma_start3A_461, %dma_start3A_462] : memref<10000x128xf32, #tpu.memory_space<vmem_shared>> -> memref<10000x128xf32, #tpu.memory_space<vmem_shared>>
        tpu.enqueue_indirect_dma source(%dma_start3A_463 : memref<10000x128xf32, #tpu.memory_space<vmem_shared>>) target(%arg8 : memref<128x128xf32, #tpu.memory_space<vmem>>) offsets(%arg12 : memref<128xi32, #tpu.memory_space<vmem>>) semaphore(%arg23 : memref<!tpu.dma_semaphore, #tpu.memory_space<semaphore_mem>>)
      } else {
      }
      %ge3A_407 = arith.constant 1 : i32
      %ge3A_408 = arith.cmpi sge, %add3A_387, %ge3A_407 : i32
      %add3A_409 = arith.constant 1 : i32
      %add3A_410 = arith.addi %select_n3A_3, %add3A_409 : i32
      %lt3A_411 = arith.cmpi slt, %add3A_387, %add3A_410 : i32
      %and3A_412 = arith.andi %ge3A_408, %lt3A_411 : i1
      %convert_element_type3A_413 = arith.extui %and3A_412 : i1 to i32
      %cond3A_414 = arith.constant 0 : i32
      %cond3A_415 = arith.cmpi ne, %convert_element_type3A_413, %cond3A_414 : i32
      scf.if %cond3A_415 {
        %dma_wait3A_448 = arith.constant 0 : i32
        %dma_wait3A_449 = arith.constant 0 : i32
        %dma_wait3A_450 = tpu.memref_slice %arg2[%dma_wait3A_448, %dma_wait3A_449] : memref<10000x128xf32, #tpu.memory_space<hbm>> -> memref<128x128xf32, #tpu.memory_space<hbm>>
        %dma_wait3A_451 = arith.constant 0 : i32
        %dma_wait3A_452 = arith.constant 0 : i32
        %dma_wait3A_453 = tpu.memref_slice %arg2[%dma_wait3A_451, %dma_wait3A_452] : memref<10000x128xf32, #tpu.memory_space<hbm>> -> memref<128x128xf32, #tpu.memory_space<hbm>>
        tpu.wait_dma2 semaphore(%arg22 : memref<!tpu.dma_semaphore, #tpu.memory_space<semaphore_mem>>) src(%dma_wait3A_453 : memref<128x128xf32, #tpu.memory_space<hbm>>) dst(%arg7 : memref<128x128xf32, #tpu.memory_space<vmem>>)
        %dma_start3A_454 = arith.constant 0 : i32
        %dma_start3A_455 = arith.constant 0 : i32
        %dma_start3A_456 = tpu.memref_slice %arg3[%dma_start3A_454, %dma_start3A_455] : memref<10000x128xf32, #tpu.memory_space<hbm>> -> memref<10000x128xf32, #tpu.memory_space<hbm>>
        tpu.enqueue_indirect_dma source(%dma_start3A_456 : memref<10000x128xf32, #tpu.memory_space<hbm>>) target(%arg7 : memref<128x128xf32, #tpu.memory_space<vmem>>) offsets(%arg15 : memref<128xi32, #tpu.memory_space<vmem>>) semaphore(%arg25 : memref<!tpu.dma_semaphore, #tpu.memory_space<semaphore_mem>>) {add = true}
      } else {
      }
      %mul3A_416 = arith.constant 12 : i32
      %mul3A_417 = arith.muli %scan3A_65, %mul3A_416 : i32
      %add3A_418 = arith.constant 11 : i32
      %add3A_419 = arith.addi %mul3A_417, %add3A_418 : i32
      %ge3A_420 = arith.constant 2 : i32
      %ge3A_421 = arith.cmpi sge, %add3A_419, %ge3A_420 : i32
      %add3A_422 = arith.constant 2 : i32
      %add3A_423 = arith.addi %select_n3A_3, %add3A_422 : i32
      %lt3A_424 = arith.cmpi slt, %add3A_419, %add3A_423 : i32
      %and3A_425 = arith.andi %ge3A_421, %lt3A_424 : i1
      %convert_element_type3A_426 = arith.extui %and3A_425 : i1 to i32
      %cond3A_427 = arith.constant 0 : i32
      %cond3A_428 = arith.cmpi ne, %convert_element_type3A_426, %cond3A_427 : i32
      scf.if %cond3A_428 {
        %dma_wait3A_448 = arith.constant 0 : i32
        %dma_wait3A_449 = arith.constant 0 : i32
        %dma_wait3A_450 = tpu.memref_slice %arg2[%dma_wait3A_448, %dma_wait3A_449] : memref<10000x128xf32, #tpu.memory_space<hbm>> -> memref<128x128xf32, #tpu.memory_space<hbm>>
        %dma_wait3A_451 = arith.constant 0 : i32
        %dma_wait3A_452 = arith.constant 0 : i32
        %dma_wait3A_453 = tpu.memref_slice %arg2[%dma_wait3A_451, %dma_wait3A_452] : memref<10000x128xf32, #tpu.memory_space<hbm>> -> memref<128x128xf32, #tpu.memory_space<hbm>>
        tpu.wait_dma2 semaphore(%arg25 : memref<!tpu.dma_semaphore, #tpu.memory_space<semaphore_mem>>) src(%dma_wait3A_453 : memref<128x128xf32, #tpu.memory_space<hbm>>) dst(%arg7 : memref<128x128xf32, #tpu.memory_space<vmem>>)
        %sub3A_454 = arith.constant 2 : i32
        %sub3A_455 = arith.subi %add3A_419, %sub3A_454 : i32
        %mul3A_456 = arith.constant 128 : i32
        %mul3A_457 = arith.muli %sub3A_455, %mul3A_456 : i32
        %add3A_458 = arith.addi %mul3A_13, %mul3A_457 : i32
        %dma_start3A_459 = arith.constant 0 : i32
        %dma_start3A_460 = tpu.memref_slice %arg6[%add3A_458, %dma_start3A_459] : memref<320000x128xf32, #tpu.memory_space<hbm>> -> memref<128x128xf32, #tpu.memory_space<hbm>>
        %dma_start3A_461 = arith.constant 0 : i32
        %dma_start3A_462 = tpu.memref_slice %arg6[%add3A_458, %dma_start3A_461] : memref<320000x128xf32, #tpu.memory_space<hbm>> -> memref<128x128xf32, #tpu.memory_space<hbm>>
        tpu.enqueue_dma source(%arg7 : memref<128x128xf32, #tpu.memory_space<vmem>>) target(%dma_start3A_462 : memref<128x128xf32, #tpu.memory_space<hbm>>) target_semaphore(%arg28 : memref<!tpu.dma_semaphore, #tpu.memory_space<semaphore_mem>>)
      } else {
      }
      %add3A_429 = arith.constant 2 : i32
      %add3A_430 = arith.addi %add3A_419, %add3A_429 : i32
      %lt3A_431 = arith.cmpi slt, %add3A_430, %select_n3A_3 : i32
      %convert_element_type3A_432 = arith.extui %lt3A_431 : i1 to i32
      %cond3A_433 = arith.constant 0 : i32
      %cond3A_434 = arith.cmpi ne, %convert_element_type3A_432, %cond3A_433 : i32
      scf.if %cond3A_434 {
        %add3A_448 = arith.constant 2 : i32
        %add3A_449 = arith.addi %add3A_419, %add3A_448 : i32
        %mul3A_450 = arith.constant 128 : i32
        %mul3A_451 = arith.muli %add3A_449, %mul3A_450 : i32
        %add3A_452 = arith.addi %mul3A_13, %mul3A_451 : i32
        %dma_start3A_453 = tpu.memref_slice %arg4[%add3A_452] : memref<320000xi32, #tpu.memory_space<hbm>> -> memref<128xi32, #tpu.memory_space<hbm>>
        %dma_start3A_454 = tpu.memref_slice %arg4[%add3A_452] : memref<320000xi32, #tpu.memory_space<hbm>> -> memref<128xi32, #tpu.memory_space<hbm>>
        tpu.enqueue_dma source(%dma_start3A_454 : memref<128xi32, #tpu.memory_space<hbm>>) target(%arg11 : memref<128xi32, #tpu.memory_space<vmem>>) target_semaphore(%arg19 : memref<!tpu.dma_semaphore, #tpu.memory_space<semaphore_mem>>)
        %mul3A_455 = arith.constant 128 : i32
        %mul3A_456 = arith.muli %add3A_449, %mul3A_455 : i32
        %add3A_457 = arith.addi %mul3A_13, %mul3A_456 : i32
        %dma_start3A_458 = tpu.memref_slice %arg5[%add3A_457] : memref<320000xi32, #tpu.memory_space<hbm>> -> memref<128xi32, #tpu.memory_space<hbm>>
        %dma_start3A_459 = tpu.memref_slice %arg5[%add3A_457] : memref<320000xi32, #tpu.memory_space<hbm>> -> memref<128xi32, #tpu.memory_space<hbm>>
        tpu.enqueue_dma source(%dma_start3A_459 : memref<128xi32, #tpu.memory_space<hbm>>) target(%arg15 : memref<128xi32, #tpu.memory_space<vmem>>) target_semaphore(%arg19 : memref<!tpu.dma_semaphore, #tpu.memory_space<semaphore_mem>>)
      } else {
      }
      %lt3A_435 = arith.cmpi slt, %add3A_419, %select_n3A_3 : i32
      %convert_element_type3A_436 = arith.extui %lt3A_435 : i1 to i32
      %cond3A_437 = arith.constant 0 : i32
      %cond3A_438 = arith.cmpi ne, %convert_element_type3A_436, %cond3A_437 : i32
      scf.if %cond3A_438 {
        %ge3A_448 = arith.constant 3 : i32
        %ge3A_449 = arith.cmpi sge, %add3A_419, %ge3A_448 : i32
        %convert_element_type3A_450 = arith.extui %ge3A_449 : i1 to i32
        %cond3A_451 = arith.constant 0 : i32
        %cond3A_452 = arith.cmpi ne, %convert_element_type3A_450, %cond3A_451 : i32
        scf.if %cond3A_452 {
          %dma_wait3A_464 = arith.constant 0 : i32
          %dma_wait3A_465 = arith.constant 0 : i32
          %dma_wait3A_466 = tpu.memref_slice %arg2[%dma_wait3A_464, %dma_wait3A_465] : memref<10000x128xf32, #tpu.memory_space<hbm>> -> memref<128x128xf32, #tpu.memory_space<hbm>>
          %dma_wait3A_467 = arith.constant 0 : i32
          %dma_wait3A_468 = arith.constant 0 : i32
          %dma_wait3A_469 = tpu.memref_slice %arg2[%dma_wait3A_467, %dma_wait3A_468] : memref<10000x128xf32, #tpu.memory_space<hbm>> -> memref<128x128xf32, #tpu.memory_space<hbm>>
          tpu.wait_dma2 semaphore(%arg30 : memref<!tpu.dma_semaphore, #tpu.memory_space<semaphore_mem>>) src(%dma_wait3A_469 : memref<128x128xf32, #tpu.memory_space<hbm>>) dst(%arg9 : memref<128x128xf32, #tpu.memory_space<vmem>>)
        } else {
        }
        %dma_wait3A_453 = arith.constant 0 : i32
        %dma_wait3A_454 = tpu.memref_slice %arg4[%dma_wait3A_453] : memref<320000xi32, #tpu.memory_space<hbm>> -> memref<128xi32, #tpu.memory_space<hbm>>
        %dma_wait3A_455 = arith.constant 0 : i32
        %dma_wait3A_456 = tpu.memref_slice %arg4[%dma_wait3A_455] : memref<320000xi32, #tpu.memory_space<hbm>> -> memref<128xi32, #tpu.memory_space<hbm>>
        tpu.wait_dma2 semaphore(%arg21 : memref<!tpu.dma_semaphore, #tpu.memory_space<semaphore_mem>>) src(%dma_wait3A_456 : memref<128xi32, #tpu.memory_space<hbm>>) dst(%arg13 : memref<128xi32, #tpu.memory_space<vmem>>)
        %dma_wait3A_457 = arith.constant 0 : i32
        %dma_wait3A_458 = tpu.memref_slice %arg4[%dma_wait3A_457] : memref<320000xi32, #tpu.memory_space<hbm>> -> memref<128xi32, #tpu.memory_space<hbm>>
        %dma_wait3A_459 = arith.constant 0 : i32
        %dma_wait3A_460 = tpu.memref_slice %arg4[%dma_wait3A_459] : memref<320000xi32, #tpu.memory_space<hbm>> -> memref<128xi32, #tpu.memory_space<hbm>>
        tpu.wait_dma2 semaphore(%arg21 : memref<!tpu.dma_semaphore, #tpu.memory_space<semaphore_mem>>) src(%dma_wait3A_460 : memref<128xi32, #tpu.memory_space<hbm>>) dst(%arg17 : memref<128xi32, #tpu.memory_space<vmem>>)
        %dma_start3A_461 = arith.constant 0 : i32
        %dma_start3A_462 = arith.constant 0 : i32
        %dma_start3A_463 = tpu.memref_slice %arg31[%dma_start3A_461, %dma_start3A_462] : memref<10000x128xf32, #tpu.memory_space<vmem_shared>> -> memref<10000x128xf32, #tpu.memory_space<vmem_shared>>
        tpu.enqueue_indirect_dma source(%dma_start3A_463 : memref<10000x128xf32, #tpu.memory_space<vmem_shared>>) target(%arg9 : memref<128x128xf32, #tpu.memory_space<vmem>>) offsets(%arg13 : memref<128xi32, #tpu.memory_space<vmem>>) semaphore(%arg24 : memref<!tpu.dma_semaphore, #tpu.memory_space<semaphore_mem>>)
      } else {
      }
      %ge3A_439 = arith.constant 1 : i32
      %ge3A_440 = arith.cmpi sge, %add3A_419, %ge3A_439 : i32
      %add3A_441 = arith.constant 1 : i32
      %add3A_442 = arith.addi %select_n3A_3, %add3A_441 : i32
      %lt3A_443 = arith.cmpi slt, %add3A_419, %add3A_442 : i32
      %and3A_444 = arith.andi %ge3A_440, %lt3A_443 : i1
      %convert_element_type3A_445 = arith.extui %and3A_444 : i1 to i32
      %cond3A_446 = arith.constant 0 : i32
      %cond3A_447 = arith.cmpi ne, %convert_element_type3A_445, %cond3A_446 : i32
      scf.if %cond3A_447 {
        %dma_wait3A_448 = arith.constant 0 : i32
        %dma_wait3A_449 = arith.constant 0 : i32
        %dma_wait3A_450 = tpu.memref_slice %arg2[%dma_wait3A_448, %dma_wait3A_449] : memref<10000x128xf32, #tpu.memory_space<hbm>> -> memref<128x128xf32, #tpu.memory_space<hbm>>
        %dma_wait3A_451 = arith.constant 0 : i32
        %dma_wait3A_452 = arith.constant 0 : i32
        %dma_wait3A_453 = tpu.memref_slice %arg2[%dma_wait3A_451, %dma_wait3A_452] : memref<10000x128xf32, #tpu.memory_space<hbm>> -> memref<128x128xf32, #tpu.memory_space<hbm>>
        tpu.wait_dma2 semaphore(%arg23 : memref<!tpu.dma_semaphore, #tpu.memory_space<semaphore_mem>>) src(%dma_wait3A_453 : memref<128x128xf32, #tpu.memory_space<hbm>>) dst(%arg8 : memref<128x128xf32, #tpu.memory_space<vmem>>)
        %dma_start3A_454 = arith.constant 0 : i32
        %dma_start3A_455 = arith.constant 0 : i32
        %dma_start3A_456 = tpu.memref_slice %arg3[%dma_start3A_454, %dma_start3A_455] : memref<10000x128xf32, #tpu.memory_space<hbm>> -> memref<10000x128xf32, #tpu.memory_space<hbm>>
        tpu.enqueue_indirect_dma source(%dma_start3A_456 : memref<10000x128xf32, #tpu.memory_space<hbm>>) target(%arg8 : memref<128x128xf32, #tpu.memory_space<vmem>>) offsets(%arg16 : memref<128xi32, #tpu.memory_space<vmem>>) semaphore(%arg26 : memref<!tpu.dma_semaphore, #tpu.memory_space<semaphore_mem>>) {add = true}
      } else {
      }
    }
    %scan3A_46 = arith.constant 8 : i32
    %dma_wait3A_47 = arith.constant 0 : i32
    %dma_wait3A_48 = arith.constant 0 : i32
    %dma_wait3A_49 = tpu.memref_slice %arg2[%dma_wait3A_47, %dma_wait3A_48] : memref<10000x128xf32, #tpu.memory_space<hbm>> -> memref<128x128xf32, #tpu.memory_space<hbm>>
    %dma_wait3A_50 = arith.constant 0 : i32
    %dma_wait3A_51 = arith.constant 0 : i32
    %dma_wait3A_52 = tpu.memref_slice %arg2[%dma_wait3A_50, %dma_wait3A_51] : memref<10000x128xf32, #tpu.memory_space<hbm>> -> memref<128x128xf32, #tpu.memory_space<hbm>>
    tpu.wait_dma2 semaphore(%arg28 : memref<!tpu.dma_semaphore, #tpu.memory_space<semaphore_mem>>) src(%dma_wait3A_52 : memref<128x128xf32, #tpu.memory_space<hbm>>) dst(%arg7 : memref<128x128xf32, #tpu.memory_space<vmem>>)
    %dma_wait3A_53 = arith.constant 0 : i32
    %dma_wait3A_54 = arith.constant 0 : i32
    %dma_wait3A_55 = tpu.memref_slice %arg2[%dma_wait3A_53, %dma_wait3A_54] : memref<10000x128xf32, #tpu.memory_space<hbm>> -> memref<128x128xf32, #tpu.memory_space<hbm>>
    %dma_wait3A_56 = arith.constant 0 : i32
    %dma_wait3A_57 = arith.constant 0 : i32
    %dma_wait3A_58 = tpu.memref_slice %arg2[%dma_wait3A_56, %dma_wait3A_57] : memref<10000x128xf32, #tpu.memory_space<hbm>> -> memref<128x128xf32, #tpu.memory_space<hbm>>
    tpu.wait_dma2 semaphore(%arg29 : memref<!tpu.dma_semaphore, #tpu.memory_space<semaphore_mem>>) src(%dma_wait3A_58 : memref<128x128xf32, #tpu.memory_space<hbm>>) dst(%arg8 : memref<128x128xf32, #tpu.memory_space<vmem>>)
    %dma_wait3A_59 = arith.constant 0 : i32
    %dma_wait3A_60 = arith.constant 0 : i32
    %dma_wait3A_61 = tpu.memref_slice %arg2[%dma_wait3A_59, %dma_wait3A_60] : memref<10000x128xf32, #tpu.memory_space<hbm>> -> memref<128x128xf32, #tpu.memory_space<hbm>>
    %dma_wait3A_62 = arith.constant 0 : i32
    %dma_wait3A_63 = arith.constant 0 : i32
    %dma_wait3A_64 = tpu.memref_slice %arg2[%dma_wait3A_62, %dma_wait3A_63] : memref<10000x128xf32, #tpu.memory_space<hbm>> -> memref<128x128xf32, #tpu.memory_space<hbm>>
    tpu.wait_dma2 semaphore(%arg30 : memref<!tpu.dma_semaphore, #tpu.memory_space<semaphore_mem>>) src(%dma_wait3A_64 : memref<128x128xf32, #tpu.memory_space<hbm>>) dst(%arg9 : memref<128x128xf32, #tpu.memory_space<vmem>>)
    return
  }
}

module attributes {stable_mosaic.version = 14 : i64} {
  func.func @_proj_body(%arg0: i32, %arg1: memref<10000x128xf32, #tpu.memory_space<vmem>>, %arg2: memref<128x128xf32, #tpu.memory_space<vmem>>, %arg3: memref<128x128xf32, #tpu.memory_space<vmem>>, %arg4: memref<10000x128xf32, #tpu.memory_space<vmem>>, %arg5: memref<10000x128xf32, #tpu.memory_space<vmem>>) attributes {dimension_semantics = [#tpu.dimension_semantics<arbitrary>], iteration_bounds = array<i64: 1>, scalar_prefetch = 0 : i64, scratch_operands = 0 : i64, tpu.core_type = #tpu.core_type<tc>, window_params = [{transform_indices = @transform_0, window_bounds = array<i64: 10000, 128>}, {pipeline_mode = #tpu.pipeline_mode<synchronous>, transform_indices = @transform_1, window_bounds = array<i64: 128, 128>}, {pipeline_mode = #tpu.pipeline_mode<synchronous>, transform_indices = @transform_2, window_bounds = array<i64: 128, 128>}, {transform_indices = @transform_3, window_bounds = array<i64: 10000, 128>}, {transform_indices = @transform_4, window_bounds = array<i64: 10000, 128>}]} {
    %get3A = arith.constant 0 : index
    %get3A_0 = arith.constant 0 : index
    %get3A_1 = vector.load %arg1[%get3A, %get3A_0] : memref<10000x128xf32, #tpu.memory_space<vmem>>, vector<10000x128xf32>
    %get3A_2 = arith.constant 0 : index
    %get3A_3 = arith.constant 0 : index
    %get3A_4 = vector.load %arg2[%get3A_2, %get3A_3] : memref<128x128xf32, #tpu.memory_space<vmem>>, vector<128x128xf32>
    %dot_general3A = arith.constant dense<0.000000e+00> : vector<10000x128xf32>
    %dot_general3A_5 = tpu.matmul %get3A_1, %get3A_4, %dot_general3A {dimension_numbers = #tpu.dot_dimension_numbers<[1], [1], [0], [0], [0, 0, 1, 0], [], []>, transpose_lhs_hint = false} : vector<10000x128xf32>, vector<128x128xf32>, vector<10000x128xf32> -> vector<10000x128xf32>
    %swap3A = arith.constant 0 : index
    %swap3A_6 = arith.constant 0 : index
    %swap3A_7 = vector.load %arg4[%swap3A, %swap3A_6] : memref<10000x128xf32, #tpu.memory_space<vmem>>, vector<10000x128xf32>
    tpu.vector_store %arg4[%swap3A, %swap3A_6], %dot_general3A_5 {strides = array<i32>} : memref<10000x128xf32, #tpu.memory_space<vmem>>, vector<10000x128xf32>,
    %get3A_8 = arith.constant 0 : index
    %get3A_9 = arith.constant 0 : index
    %get3A_10 = vector.load %arg3[%get3A_8, %get3A_9] : memref<128x128xf32, #tpu.memory_space<vmem>>, vector<128x128xf32>
    %dot_general3A_11 = arith.constant dense<0.000000e+00> : vector<10000x128xf32>
    %dot_general3A_12 = tpu.matmul %get3A_1, %get3A_10, %dot_general3A_11 {dimension_numbers = #tpu.dot_dimension_numbers<[1], [1], [0], [0], [0, 0, 1, 0], [], []>, transpose_lhs_hint = false} : vector<10000x128xf32>, vector<128x128xf32>, vector<10000x128xf32> -> vector<10000x128xf32>
    %swap3A_13 = arith.constant 0 : index
    %swap3A_14 = arith.constant 0 : index
    %swap3A_15 = vector.load %arg5[%swap3A_13, %swap3A_14] : memref<10000x128xf32, #tpu.memory_space<vmem>>, vector<10000x128xf32>
    tpu.vector_store %arg5[%swap3A_13, %swap3A_14], %dot_general3A_12 {strides = array<i32>} : memref<10000x128xf32, #tpu.memory_space<vmem>>, vector<10000x128xf32>,
    return
  }
  func.func @transform_0(%arg0: i32) -> (i32, i32) {
    %c0_i32 = arith.constant 0 : i32
    %c0_i32_0 = arith.constant 0 : i32
    return %arg0, %c0_i32 : i32, i32
  }
  func.func @transform_1(%arg0: i32) -> (i32, i32) {
    %c0_i32 = arith.constant 0 : i32
    %c0_i32_0 = arith.constant 0 : i32
    %c0_i32_1 = arith.constant 0 : i32
    return %c0_i32, %c0_i32_0 : i32, i32
  }
  func.func @transform_2(%arg0: i32) -> (i32, i32) {
    %c0_i32 = arith.constant 0 : i32
    %c0_i32_0 = arith.constant 0 : i32
    %c0_i32_1 = arith.constant 0 : i32
    return %c0_i32, %c0_i32_0 : i32, i32
  }
  func.func @transform_3(%arg0: i32) -> (i32, i32) {
    %c0_i32 = arith.constant 0 : i32
    %c0_i32_0 = arith.constant 0 : i32
    return %arg0, %c0_i32 : i32, i32
  }
  func.func @transform_4(%arg0: i32) -> (i32, i32) {
    %c0_i32 = arith.constant 0 : i32
    %c0_i32_0 = arith.constant 0 : i32
    return %arg0, %c0_i32 : i32, i32
  }
}

</mosaic_0001>

<sc_bundles>
// kernel: kernel.4.cloned.1.call-start
scs
__scs_entry_jumppad:
0x0: {  	(pc) =	sbr.rel $0x88, $3  }
0x1: {  	(tag) =	ssettag $0x0;
	lr =	simm.s32 $0x1  }
0x2: {  	[smem:$0x3F9D] =	sst lr;
	_ =	strace $0xD0000000  }
0x3: {  	_ = 	snop  }
0x4: {  	_ = 	snop  }
0x5: {  	_ = 	snop  }
0x6: {  	_ = 	snop  }
0x7: {  	_ = 	snop  }
__scs_overlays_trampoline_lowered:
0x8: {  	[smem:$0x3FAC] =	sst s0  }
0x9: {  	[smem:$0x3FAD] =	sst s1  }
0xa: {  	[smem:$0x3FAE] =	sst s2  }
0xb: {  	[smem:$0x3FAF] =	sst s3  }
0xc: {  	[smem:$0x3FB0] =	sst s4  }
0xd: {  	[smem:$0x3FB1] =	sst s5  }
0xe: {  	[smem:$0x3FB2] =	sst s6  }
0xf: {  	[smem:$0x3FB3] =	sst s7  }
0x10: {  	[smem:$0x3FB4] =	sst s8  }
0x11: {  	[smem:$0x3FB5] =	sst s9;
	s0 =	simm.s32 @!p0 $0x0  }
0x12: {  	s1 =	sld [smem:$0x3F9B];
	s0 =	simm.s32 @p0 $0x1  }
0x13: {  	[smem:$0x3FB6] =	sst s0;
	s0 =	simm.s32 @!p1 $0x0  }
0x14: {  	s2 =	sld [smem:$0x3F9A];
	s0 =	simm.s32 @p1 $0x1  }
0x15: {  	[smem:$0x3FB7] =	sst s0;
	s0 =	simm.s32 @!p2 $0x0  }
0x16: {  	s3 =	sld [smem:$0x3FDB];
	s0 =	simm.s32 @p2 $0x1  }
0x17: {  	s4 =	simm.s32 $0x1BF5;
	[smem:$0x3FB9] =	sst s0  }
0x18: {  	s0 =	sld [smem:$0x3F9C];
	_ =	swait.ge [sflag:s4], $0x0  }
0x19: {  	s7 =	sld [smem:$0x3F9D]  }
0x1a: {  	s8 =	sadd.s32 $0xFFFFE003, lr  }
0x1b: {  	s9 =	sadd.s32 $0xFFFFFEF7, lr;
	s5 =	simm.s32 $0xFFFFFFFF;
	p2 =	slt.u32 s8, $0xFFFFF086  }
0x1c: {  	p1 =	slt.u32 s9, $0xF7A;
	s5 =	simm.s32 @!p2 $0x0  }
0x1d: {  	s5 =	simm.s32 @p1 $0x1;
	p0 =	seq.s32 s7, s2  }
0x1e: {  	s7 =	smul.u32 @!p0 $0xF7A, s2;
	p2 =	seq.s32 @!p0 s5, $0x0  }
0x1f: {  	s9 =	smul.u32 $0xF7A, s1;
	s8 =	simm.s32 @!p0 $0x1BF5;
	p2 =	por !p2, p0  }
0x20: {  	[sflag:s8] =	ssyncset.s32 @!p0 $0xFFFFF086;
	s6 =	sadd.s32 @!p0 s3, s7;
	s7 =	simm.s32 @!p0 $0x108  }
0x21: {  	s3 =	sadd.s32 s3, s9;
	s6 =	sadd.s32 @!p0 $0x88, s6;
	s7 =	simm.s32 @p2 $0x1082  }
0x22: {  	[simem:s7], [sflag:s8] =	dma.local @!p0 [hbm:s6], $0xF7A  }
0x23: {  	s9 =	sor.u32 $0xD0000000, s2;
	s6 =	simm.s32 $0x108;
	_ =	swait.ge @!p0 [sflag:s8], $0x0  }
0x24: {  	s3 =	sadd.s32 $0x88, s3;
	s6 =	simm.s32 @!p1 $0x1082;
	[sflag:s4] =	ssyncset.s32 $0xFFFFF086  }
0x25: {  	[simem:s6], [sflag:s4] =	dma.local [hbm:s3], $0xF7A  }
0x26: {  	[smem:$0x3F9D] =	sst s1;
	(tag) =	ssettag s2;
	_ =	strace s9  }
0x27: {  	s1 =	sld [smem:$0x3FAD]  }
0x28: {  	s2 =	sld [smem:$0x3FAE]  }
0x29: {  	s4 =	sld [smem:$0x3FB0]  }
0x2a: {  	p0 =	seq.s32 s5, $0x0;
	s5 =	sld [smem:$0x3FB1]  }
0x2b: {  	s6 =	sld [smem:$0x3FB2]  }
0x2c: {  	s7 =	sld [smem:$0x3FB3]  }
0x2d: {  	s3 =	simm.s32 $0x108;
	s8 =	sld [smem:$0x3FB4]  }
0x2e: {  	s3 =	simm.s32 @!p0 $0x1082;
	s9 =	sld [smem:$0x3FB5]  }
0x2f: {  	lr =	sadd.s32 s0, s3;
	s0 =	sld [smem:$0x3FAC]  }
0x30: {  	s3 =	sld [smem:$0x3FAF]  }
0x31: {  	[smem:$0x3FB8] =	sst s10  }
0x32: {  	s10 =	sld [smem:$0x3FB6];
	_ =	sdelay $0x3  }
0x33: {  	p0 =	seq.s32 s10, $0x1;
	s10 =	sld [smem:$0x3FB8];
	_ =	sdelay $0x3  }
0x34: {  	[smem:$0x3FB8] =	sst s10  }
0x35: {  	s10 =	sld [smem:$0x3FB7];
	_ =	sdelay $0x3  }
0x36: {  	p1 =	seq.s32 s10, $0x1;
	s10 =	sld [smem:$0x3FB8];
	_ =	sdelay $0x3  }
0x37: {  	[smem:$0x3FB8] =	sst s10  }
0x38: {  	s10 =	sld [smem:$0x3FB9]  }
0x39: {  	_ = 	snop;
	(pc) =	sbr.ind lr, $3  }
0x3a: {  	_ = 	snop  }
0x3b: {  	_ = 	snop  }
0x3c: {  	p2 =	seq.s32 s10, $0x1;
	s10 =	sld [smem:$0x3FB8]  }
0x3d: {  	_ =	shalt  }
0x3e: {  	_ =	shalt  }
0x3f: {  	_ =	shalt  }
0x40: {  	_ =	shalt  }
0x41: {  	_ =	shalt  }
0x42: {  	_ =	shalt  }
0x43: {  	_ =	shalt  }
0x44: {  	_ =	shalt  }
0x45: {  	_ =	shalt  }
0x46: {  	_ =	shalt  }
0x47: {  	_ =	shalt  }
0x48: {  	_ =	shalt  }
0x49: {  	_ =	shalt  }
0x4a: {  	_ =	shalt  }
0x4b: {  	_ =	shalt  }
0x4c: {  	_ =	shalt  }
0x4d: {  	_ =	shalt  }
0x4e: {  	_ =	shalt  }
0x4f: {  	_ =	shalt  }
0x50: {  	_ =	shalt  }
0x51: {  	_ =	shalt  }
0x52: {  	_ =	shalt  }
0x53: {  	_ =	shalt  }
0x54: {  	_ =	shalt  }
0x55: {  	_ =	shalt  }
0x56: {  	_ =	shalt  }
0x57: {  	_ =	shalt  }
0x58: {  	_ =	shalt  }
0x59: {  	_ =	shalt  }
0x5a: {  	_ =	shalt  }
0x5b: {  	_ =	shalt  }
0x5c: {  	_ =	shalt  }
0x5d: {  	_ =	shalt  }
0x5e: {  	_ =	shalt  }
0x5f: {  	_ =	shalt  }
0x60: {  	_ =	shalt  }
0x61: {  	_ =	shalt  }
0x62: {  	_ =	shalt  }
0x63: {  	_ =	shalt  }
0x64: {  	_ =	shalt  }
0x65: {  	_ =	shalt  }
0x66: {  	_ =	shalt  }
0x67: {  	_ =	shalt  }
0x68: {  	_ =	shalt  }
0x69: {  	_ =	shalt  }
0x6a: {  	_ =	shalt  }
0x6b: {  	_ =	shalt  }
0x6c: {  	_ =	shalt  }
0x6d: {  	_ =	shalt  }
0x6e: {  	_ =	shalt  }
0x6f: {  	_ =	shalt  }
0x70: {  	_ =	shalt  }
0x71: {  	_ =	shalt  }
0x72: {  	_ =	shalt  }
0x73: {  	_ =	shalt  }
0x74: {  	_ =	shalt  }
0x75: {  	_ =	shalt  }
0x76: {  	_ =	shalt  }
0x77: {  	_ =	shalt  }
0x78: {  	_ =	shalt  }
0x79: {  	_ =	shalt  }
0x7a: {  	_ =	shalt  }
0x7b: {  	_ =	shalt  }
0x7c: {  	_ =	shalt  }
0x7d: {  	_ =	shalt  }
0x7e: {  	_ =	shalt  }
0x7f: {  	_ =	shalt  }
0x80: {  	_ =	shalt  }
0x81: {  	_ =	shalt  }
0x82: {  	_ =	shalt  }
0x83: {  	_ =	shalt  }
0x84: {  	_ =	shalt  }
0x85: {  	_ =	shalt  }
0x86: {  	_ =	shalt  }
0x87: {  	_ =	shalt  }
.Lfunc_end0:
.L_simem_size_0:
called_computation_lowered:
.L_overlay_start_0:
0x88: {  	s2 =	sld [smem:$0x3FD9]  }
0x89: {  	s3 =	sld [smem:$0x3FFE];
	_ =	sdelay $0x1  }
0x8a: {  	s1 =	srdreg.scid  }
0x8b: {  	s0 =	sand.u32 $0x1, s1  }
0x8c: {  	s17 =	sshll.u32 s0, $0xA;
	s2 =	sadd.s32 s3, s2  }
0x8d: {  	s2 =	sadd.s32 s2, s17  }
0x8e: {  	[smem:$0x3FC4] =	sst s2  }
0x8f: {  	_ = 	snop  }
0x90: {  	s2 =	sld [smem:$0x3FD0];
	(tm) =	ssettm $0x1  }
0x91: {  	s18 =	sld [smem:$0x3FFB];
	_ =	sdelay $0x3  }
0x92: {  	_ =	strace s18  }
0x93: {  	s3 =	sld [smem:$0x3FFC];
	_ =	sdelay $0x3  }
0x94: {  	_ =	strace s3  }
0x95: {  	s3 =	sld [smem:$0x3FFD];
	_ =	sdelay $0x3  }
0x96: {  	_ =	strace s3  }
0x97: {  	_ =	strace $0x8FFFFFFF  }
0x98: {  	s19 =	sld [smem:$0x3FDB];
	_ =	sdelay $0x1  }
0x99: {  	s4 =	simm.s32 $_scs_section_size  }
0x9a: {  	s5 =	simm.s32 $_size__tile_overlayer_lowered;
	s6 =	simm.s32 $_tile_overlayer_lowered  }
0x9b: {  	s22 =	simm.s32 $0x1BFF;
	s21 =	sshll.u32 s6, $0x1;
	s3 =	sadd.s32 s4, s19  }
0x9c: {  	s7 =	simm.s32 $0x0;
	s20 =	sshll.u32 s5, $0x1;
	s5 =	sadd.s32 s21, s3  }
0x9d: {  	[timem:s7], [sflag:s22] =	dma.local [hbm:s5], s20  }
0x9e: {  	_ =	swait.ge [sflag:s22], s20  }
0x9f: {  	s4 =	ssub.s32 $0x0, s20;
	[sflag:s22] =	ssyncset.done $0x0  }
0xa0: {  	[sflag:s22] =	ssyncadd.s32 s4;
	_ =	sdelay $0x1  }
0xa1: {  	s23 =	simm.s32 $0x1B8B  }
0xa2: {  	_ =	swait.ge [sflag:s23], $0x1  }
0xa3: {  	[sflag:s23] =	ssyncset.done $0x0  }
0xa4: {  	s25 =	simm.s32 $0x1B8E;
	s24 =	sld [smem:$0x3FFE];
	[sflag:s23] =	ssyncadd.s32 $0xFFFFFFFF  }
0xa5: {  	s26 =	simm.s32 $execute0_lowered;
	[smem:$0x3FD2] =	sst s25  }
0xa6: {  	s5 =	sshll.u32 s26, $0x1;
	_ =	strace $0x80000046;
	[dreg:$0x1] =	wrdreg $0xFFFFFFFF  }
0xa7: {  	s28 =	simm.s32 $_size_execute0_lowered;
	s3 =	sadd.s32 s3, s5;
	[dreg:$0x0] =	wrdreg $0x0  }
0xa8: {  	s5 =	sshll.u32 s28, $0x1;
	[dreg:$0x2] =	wrdreg s3  }
0xa9: {  	[dreg:$0x3] =	wrdreg s5  }
0xaa: {  	[dreg:$0x4] =	wrdreg $0xC0  }
0xab: {  	_ =	task [dreg:s7], $0x5FFFF  }
0xac: {  	[dreg:$0x1] =	wrdreg $0xFFFFFFFF  }
0xad: {  	[dreg:$0x0] =	wrdreg $0x60  }
0xae: {  	[dreg:$0x2] =	wrdreg s24  }
0xaf: {  	[dreg:$0x3] =	wrdreg s2  }
0xb0: {  	[dreg:$0x4] =	wrdreg $0xC4000  }
0xb1: {  	[dreg:$0x5] =	wrdreg $0x9  }
0xb2: {  	_ =	task.clear_ibuf [dreg:s7], $0x6FFFF;
	_ =	strace $0x90000046  }
0xb3: {  	s29 =	simm.s32 $0x9;
	_ =	strace $0x80000048  }
0xb4: {  	_ =	swait.ge [sflag:s29], $0x1  }
0xb5: {  	[sflag:s29] =	ssyncadd.s32 $0xFFFFFFFF  }
0xb6: {  	_ =	strace $0x90000048  }
0xb7: {  	_ =	sfence  }
0xb8: {  	s30 =	sld [smem:$0x0];
	_ =	sdelay $0x2  }
0xb9: {  	s31 =	sshll.u32 s1, $0xD;
	s1 =	sshrl.u32 s1, $0x2  }
0xba: {  	s3 =	sand.u32 $0x4000, s31;
	s1 =	sadd.s32 s1, s30  }
0xbb: {  	s0 =	sor.u32 s3, s0;
	s1 =	sshll.u32 s1, $0x11  }
0xbc: {  	s0 =	sor.u32 s1, s0  }
0xbd: {  	s0 =	sadd.s32 $0x8F2B, s0  }
0xbe: {  	[sflag:s0] =	ssyncadd.remote.s32 $0x1  }
0xbf: {  	_ =	sfence.sel $0xFFFF  }
0xc0: {  	[dreg:$0x0] =	wrdreg $0xFFFFFFFF;
	(pc) =	sbr.abs _section_cstart, $3  }
0xc1: {  	[dreg:$0x1] =	wrdreg $0xFFFFFFFF  }
0xc2: {  	_ =	task.clear_ibuf [dreg:s7], $0x2FFFF;
	_ =	strace $0x9FFFFFFF  }
0xc3: {  	(tm) =	ssettm $0x7FFFFFFF  }
tec
execute0_lowered:
.L_overlay_start_1:
0x0: {  	(tag) =	ssettag $0x1  }
0x1: {  	s0 =	rddreg [dreg:$0x0]  }
0x2: {  	s5 =	rddreg [dreg:$0x1]  }
0x3: {  	s1 =	rddreg [dreg:$0x2];
	s2 =	simm.s32 $0x0  }
0x4: {  	s6 =	stileid.u32;
	s4 =	srdreg.scid;
	s19 =	simm.s32 $0x8  }
0x5: {  	s28 =	simm.s32 $0x0;
	[smem:$0x7FF] =	sst s2;
	s3 =	smul.u32 $0x2700, s6  }
0x6: {  	s4 =	sand.u32 $0x1, s4;
	s8 =	sshll.u32 s6, $0x1;
	s16 =	sadd.s32 $0xA600, s0  }
0x7: {  	s15 =	sadd.s32 $0x800, s0;
	s21 =	smul.u32 $0x4E000, s6;
	p0 =	slt.u32 s6, $0x2  }
0x8: {  	s23 =	sshll.u32 s6, $0x6;
	s18 =	sadd.s32 $0x138000, s1;
	_ =	strace $0x80000047  }
0x9: {  	s9 =	ssub.s32 $0x2, s4;
	s8 =	sor.u32 s4, s8;
	s4 =	simm.s32 $0x4F  }
0xa: {  	s24 =	sor.u32 $0x1C08, s23;
	s7 =	sadd.s32 s3, s0;
	s10 =	smul.u32 $0x4E, s8  }
0xb: {  	s3 =	sadd.s32 $0x3B600, s0;
	s20 =	sshrl.u32 s9, $0x1;
	s8 =	smul.u32 $0x4F, s8  }
0xc: {  	s4 =	simm.s32 @!p0 $0x4E;
	[dreg:$0x5] =	wrdreg s24;
	s0 =	sadd.s32 $0x3B400, s0  }
0xd: {  	s24 =	simm.s32 $0xB;
	s13 =	ssub.s32 s9, s20;
	s9 =	sshrl.u32 s21, $0x2  }
0xe: {  	s7 =	sadd.s32 $0x14400, s7;
	[dreg:$0x6] =	wrdreg s0;
	s12 =	sadd.s32 $0x4, s10  }
0xf: {  	s22 =	sadd.s32 s9, s1;
	[dreg:$0x4] =	wrdreg s7;
	s12 =	smov.u32 @p0 s8  }
0x10: {  	s13 =	smax.u32 s13, $0x1;
	p0 =	sne.s32 s6, $0x0;
	s25 =	sshll.u32 s12, $0x4  }
0x11: {  	s17 =	sshrl.u32 s22, $0x3;
	s31 =	sshll.u32 s12, $0xB;
	s26 =	sand.u32 $0x1FFFFFF0, s25  }
0x12: {  	s12 =	sadd.s32 $0x2, s4;
	s18 =	sshrl.u32 @!p0 s18, $0x3;
	s29 =	sadd.s32 s16, s26  }
0x13: {  	s30 =	sadd.s32 s15, s26;
	s0 =	sadd.s32 $0x10, s26;
	[dreg:$0x7] =	wrdreg s29  }
0x14: {  	s26 =	simm.s32 $0xD;
	[dreg:$0x8] =	wrdreg s30;
	s10 =	sadd.s32 s16, s0  }
0x15: {  	s11 =	sadd.s32 s15, s0;
	s0 =	sadd.s32 s31, s5;
	s15 =	sadd.s32 s25, s15  }
0x16: {  	s16 =	sadd.s32 s25, s16;
	s25 =	simm.s32 $0xC;
	s14 =	sadd.s32 $0xFFFFF000, s0  }
.LBB2_1:
0x17: {  	s0 =	rddreg [dreg:$0x4]  }
0x18: {  	s5 =	rddreg [dreg:$0x5]  }
0x19: {  	[spmem:s17], [sflag:s5] =	dma.local [hbm:s0], $0x2700  }
0x1a: {  	s0 =	simm.s32 @!p0 $0x1C0E;
	s5 =	rddreg [dreg:$0x6]  }
0x1b: {  	[spmem:s18], [sflag:s0] =	dma.local @!p0 [hbm:s5], $0x100  }
0x1c: {  	s0 =	simm.s32 @!p0 $0xE  }
0x1d: {  	_ =	swait.ge @!p0 [sflag:s0], $0x100  }
0x1e: {  	[sflag:s0] =	ssyncset.done @!p0 $0x0  }
0x1f: {  	[sflag:s0] =	ssyncadd.s32 @!p0 $0xFFFFFF00  }
0x20: {  	_ =	swait.ge [sflag:s19], $0x2700  }
0x21: {  	[sflag:s19] =	ssyncset.done $0x0  }
0x22: {  	[sflag:s19] =	ssyncadd.s32 $0xFFFFD900  }
0x23: {  	[bflag:$0x0] =	sbarrier.arrive $0xFFFF  }
0x24: {  	s9 =	simm.s32 $0xC000;
	s8 =	rddreg [dreg:$0x7]  }
0x25: {  	[tilespmem:s9], [sflag:$0x1] =	stream.linear.gather [hbm4b:s8+s2], $0x80, $0x38;
	[tilespmem:$0x1FC80] =	vst v63  }
0x26: {  	s21 =	simm.s32 $0xC200;
	s20 =	rddreg [dreg:$0x8]  }
0x27: {  	[tilespmem:s21], [sflag:$0x1] =	stream.linear.gather [hbm4b:s20+s2], $0x80, $0x38;
	[tilespmem:$0x1FC80] =	vst v63  }
0x28: {  	s22 =	simm.s32 $0xC080;
	s23 =	simm.s32 $0xC280  }
0x29: {  	[tilespmem:s22], [sflag:$0x2] =	stream.linear.gather [hbm4b:s10+s2], $0x80, $0x38;
	[tilespmem:$0x1FC80] =	vst v63  }
0x2a: {  	s31 =	simm.s32 $0x0;
	s29 =	simm.s32 $0x0;
	s30 =	smov.u32 s14  }
0x2b: {  	[tilespmem:s23], [sflag:$0x2] =	stream.linear.gather [hbm4b:s11+s2], $0x80, $0x38;
	[tilespmem:$0x1FC80] =	vst v63  }
.LBB2_2:
0x2c: {  	p3 =	seq.s32 s29, $0x0  }
0x2d: {  	p1 =	sge.u32 @!p3 s31, s12  }
0x2e: {  	p1 =	por p1, p3  }
0x2f: {  	s0 =	simm.s32 @!p1 $0x9  }
0x30: {  	_ =	swait.ge @!p1 [sflag:s0], $0x4000  }
0x31: {  	[sflag:s0] =	ssyncset.done @!p1 $0x0  }
0x32: {  	s5 =	simm.s32 @!p1 $0x4000;
	[sflag:s0] =	ssyncadd.s32 @!p1 $0xFFFFC000;
	s0 =	simm.s32 @!p1 $0x0  }
0x33: {  	[hbm4b:s30+s0] =	stream.linear.scatter @!p1 [tilespmem:s5], [sflag:$0xC], $0x4000, $0x38;
	[tilespmem:$0x1FC80] =	vst v63  }
0x34: {  	s0 =	sadd.s32 $0x2, s31  }
0x35: {  	p1 =	sge.u32 s0, s4  }
0x36: {  	p2 =	sge.u32 s31, s4;
	s5 =	sadd.s32 @!p1 s29, s16  }
0x37: {  	s6 =	simm.s32 @!p1 $0x0;
	s21 =	simm.s32 @!p1 $0xC100;
	s5 =	sadd.s32 @!p1 $0x20, s5  }
0x38: {  	[tilespmem:s21], [sflag:$0x3] =	stream.linear.gather @!p1 [hbm4b:s5+s6], $0x80, $0x38;
	[tilespmem:$0x1FC80] =	vst v63  }
0x39: {  	p4 =	seq.s32 @!p2 s29, $0x0;
	s5 =	sadd.s32 @!p1 s29, s15  }
0x3a: {  	p4 =	por p4, p2;
	s7 =	simm.s32 @!p1 $0xC300;
	s5 =	sadd.s32 @!p1 $0x20, s5  }
0x3b: {  	[tilespmem:s7], [sflag:$0x3] =	stream.linear.gather @!p1 [hbm4b:s5+s6], $0x80, $0x38;
	[tilespmem:$0x1FC80] =	vst v63  }
0x3c: {  	s5 =	simm.s32 @!p4 $0xB  }
0x3d: {  	_ =	swait.ge @!p4 [sflag:s5], $0x4000  }
0x3e: {  	[sflag:s5] =	ssyncset.done @!p4 $0x0  }
0x3f: {  	[sflag:s5] =	ssyncadd.s32 @!p4 $0xFFFFC000;
	s5 =	simm.s32 @!p2 $0x1  }
0x40: {  	_ =	swait.ge @!p2 [sflag:s5], $0x80  }
0x41: {  	[sflag:s5] =	ssyncset.done @!p2 $0x0  }
0x42: {  	[sflag:s5] =	ssyncadd.s32 @!p2 $0xFFFFFF80  }
0x43: {  	s8 =	simm.s32 @!p2 $0x80;
	_ =	swait.ge @!p2 [sflag:s5], $0x80  }
0x44: {  	s7 =	simm.s32 @!p2 $0x0;
	p4 =	sgt.u32 @!p3 s31, s4;
	[sflag:s5] =	ssyncset.done @!p2 $0x0  }
0x45: {  	p4 =	por p4, p3;
	[sflag:s5] =	ssyncadd.s32 @!p2 $0xFFFFFF80;
	s5 =	simm.s32 @!p2 $0xC000  }
0x46: {  	[tilespmem:s7], [sflag:$0x5] =	stream.indirect.gather @!p2 [spmem:s1], $0x80, s5, s8, $0xb8;
	[tilespmem:$0x1FC80] =	vst v63  }
0x47: {  	s5 =	simm.s32 @!p4 $0x7  }
0x48: {  	_ =	swait.ge @!p4 [sflag:s5], $0x4000  }
0x49: {  	s6 =	simm.s32 @!p4 $0xC380;
	[sflag:s5] =	ssyncset.done @!p4 $0x0  }
0x4a: {  	s20 =	simm.s32 @!p4 $0x8000;
	[sflag:s5] =	ssyncadd.s32 @!p4 $0xFFFFC000;
	s5 =	simm.s32 @!p4 $0x80  }
0x4b: {  	[tilespmem:s20], [sflag:$0xA] =	stream.indirect.gather.add.f32 @!p4 [hbm:s3], $0x80, s6, s5, $0xb8;
	[tilespmem:$0x1FC80] =	vst v63  }
0x4c: {  	s20 =	sadd.s32 $0x1, s31  }
0x4d: {  	p4 =	sge.u32 @!p3 s20, s12  }
0x4e: {  	p3 =	por p4, p3  }
0x4f: {  	s5 =	simm.s32 @!p3 $0xA  }
0x50: {  	_ =	swait.ge @!p3 [sflag:s5], $0x4000  }
0x51: {  	s6 =	simm.s32 @!p3 $0x0;
	[sflag:s5] =	ssyncset.done @!p3 $0x0  }
0x52: {  	s22 =	simm.s32 @!p3 $0x8000;
	[sflag:s5] =	ssyncadd.s32 @!p3 $0xFFFFC000;
	s5 =	sadd.s32 @!p3 $0x800, s30  }
0x53: {  	[hbm4b:s5+s6] =	stream.linear.scatter @!p3 [tilespmem:s22], [sflag:$0xD], $0x4000, $0x38;
	[tilespmem:$0x1FC80] =	vst v63  }
0x54: {  	s22 =	sadd.s32 $0x3, s31  }
0x55: {  	p3 =	sge.u32 s22, s4  }
0x56: {  	p4 =	sge.u32 s20, s4;
	s5 =	sadd.s32 @!p3 s29, s16  }
0x57: {  	s6 =	simm.s32 @!p3 $0xC180;
	s23 =	sadd.s32 @!p3 $0x30, s5;
	s5 =	simm.s32 @!p3 $0x0  }
0x58: {  	[tilespmem:s6], [sflag:$0x4] =	stream.linear.gather @!p3 [hbm4b:s23+s5], $0x80, $0x38;
	[tilespmem:$0x1FC80] =	vst v63  }
0x59: {  	p5 =	seq.s32 @!p4 s29, $0x0;
	s23 =	sadd.s32 @!p3 s29, s15  }
0x5a: {  	p5 =	por p5, p4;
	s9 =	simm.s32 @!p3 $0xC380;
	s23 =	sadd.s32 @!p3 $0x30, s23  }
0x5b: {  	[tilespmem:s9], [sflag:$0x4] =	stream.linear.gather @!p3 [hbm4b:s23+s5], $0x80, $0x38;
	[tilespmem:$0x1FC80] =	vst v63  }
0x5c: {  	s9 =	simm.s32 @!p5 $0xC  }
0x5d: {  	_ =	swait.ge @!p5 [sflag:s9], $0x4000  }
0x5e: {  	[sflag:s9] =	ssyncset.done @!p5 $0x0  }
0x5f: {  	[sflag:s9] =	ssyncadd.s32 @!p5 $0xFFFFC000;
	s9 =	simm.s32 @!p4 $0x2  }
0x60: {  	_ =	swait.ge @!p4 [sflag:s9], $0x80  }
0x61: {  	[sflag:s9] =	ssyncset.done @!p4 $0x0  }
0x62: {  	[sflag:s9] =	ssyncadd.s32 @!p4 $0xFFFFFF80  }
0x63: {  	_ =	swait.ge @!p4 [sflag:s9], $0x80  }
0x64: {  	s20 =	simm.s32 @!p4 $0xC080;
	[sflag:s9] =	ssyncset.done @!p4 $0x0  }
0x65: {  	s23 =	simm.s32 @!p4 $0x4000;
	[sflag:s9] =	ssyncadd.s32 @!p4 $0xFFFFFF80;
	s9 =	simm.s32 @!p4 $0x80  }
0x66: {  	[tilespmem:s23], [sflag:$0x6] =	stream.indirect.gather @!p4 [spmem:s1], $0x80, s20, s9, $0xb8;
	[tilespmem:$0x1FC80] =	vst v63  }
0x67: {  	s9 =	simm.s32 @!p2 $0x5  }
0x68: {  	_ =	swait.ge @!p2 [sflag:s9], $0x4000  }
0x69: {  	[sflag:s9] =	ssyncset.done @!p2 $0x0  }
0x6a: {  	[sflag:s9] =	ssyncadd.s32 @!p2 $0xFFFFC000;
	s9 =	simm.s32 @!p2 $0xC200  }
0x6b: {  	[tilespmem:s7], [sflag:$0x8] =	stream.indirect.gather.add.f32 @!p2 [hbm:s3], $0x80, s9, s8, $0xb8;
	[tilespmem:$0x1FC80] =	vst v63  }
0x6c: {  	s8 =	simm.s32 @!p2 $0x8  }
0x6d: {  	_ =	swait.ge @!p2 [sflag:s8], $0x4000  }
0x6e: {  	[sflag:s8] =	ssyncset.done @!p2 $0x0  }
0x6f: {  	s20 =	sadd.s32 $0x4, s31;
	[sflag:s8] =	ssyncadd.s32 @!p2 $0xFFFFC000;
	s8 =	sadd.s32 @!p2 $0x1000, s30  }
0x70: {  	[hbm4b:s8+s7] =	stream.linear.scatter @!p2 [tilespmem:s7], [sflag:$0xB], $0x4000, $0x38;
	[tilespmem:$0x1FC80] =	vst v63  }
0x71: {  	p2 =	sge.u32 s20, s4  }
0x72: {  	s7 =	sadd.s32 @!p2 s29, s16  }
0x73: {  	s8 =	simm.s32 @!p2 $0x0;
	s23 =	simm.s32 @!p2 $0xC000;
	s7 =	sadd.s32 @!p2 $0x40, s7  }
0x74: {  	[tilespmem:s23], [sflag:$0x1] =	stream.linear.gather @!p2 [hbm4b:s7+s8], $0x80, $0x38;
	[tilespmem:$0x1FC80] =	vst v63  }
0x75: {  	p4 =	seq.s32 @!p1 s29, $0x0;
	s7 =	sadd.s32 @!p2 s29, s15  }
0x76: {  	p4 =	por p4, p1;
	s9 =	simm.s32 @!p2 $0xC200;
	s7 =	sadd.s32 @!p2 $0x40, s7  }
0x77: {  	[tilespmem:s9], [sflag:$0x1] =	stream.linear.gather @!p2 [hbm4b:s7+s8], $0x80, $0x38;
	[tilespmem:$0x1FC80] =	vst v63  }
0x78: {  	s7 =	simm.s32 @!p4 $0xD  }
0x79: {  	_ =	swait.ge @!p4 [sflag:s7], $0x4000  }
0x7a: {  	[sflag:s7] =	ssyncset.done @!p4 $0x0  }
0x7b: {  	[sflag:s7] =	ssyncadd.s32 @!p4 $0xFFFFC000;
	s7 =	simm.s32 @!p1 $0x3  }
0x7c: {  	_ =	swait.ge @!p1 [sflag:s7], $0x80  }
0x7d: {  	[sflag:s7] =	ssyncset.done @!p1 $0x0  }
0x7e: {  	[sflag:s7] =	ssyncadd.s32 @!p1 $0xFFFFFF80  }
0x7f: {  	_ =	swait.ge @!p1 [sflag:s7], $0x80  }
0x80: {  	[sflag:s7] =	ssyncset.done @!p1 $0x0  }
0x81: {  	s8 =	simm.s32 @!p1 $0x8000;
	[sflag:s7] =	ssyncadd.s32 @!p1 $0xFFFFFF80;
	s7 =	simm.s32 @!p1 $0x80  }
0x82: {  	[tilespmem:s8], [sflag:$0x7] =	stream.indirect.gather @!p1 [spmem:s1], $0x80, s21, s7, $0xb8;
	[tilespmem:$0x1FC80] =	vst v63  }
0x83: {  	p1 =	sgt.u32 s0, s4  }
0x84: {  	s0 =	simm.s32 @!p1 $0x6  }
0x85: {  	_ =	swait.ge @!p1 [sflag:s0], $0x4000  }
0x86: {  	s7 =	simm.s32 @!p1 $0xC280;
	[sflag:s0] =	ssyncset.done @!p1 $0x0  }
0x87: {  	s8 =	simm.s32 @!p1 $0x4000;
	[sflag:s0] =	ssyncadd.s32 @!p1 $0xFFFFC000;
	s0 =	simm.s32 @!p1 $0x80  }
0x88: {  	[tilespmem:s8], [sflag:$0x9] =	stream.indirect.gather.add.f32 @!p1 [hbm:s3], $0x80, s7, s0, $0xb8;
	[tilespmem:$0x1FC80] =	vst v63  }
0x89: {  	p1 =	sge.u32 s22, s12  }
0x8a: {  	s0 =	simm.s32 @!p1 $0x9  }
0x8b: {  	s21 =	sadd.s32 $0x5, s31;
	_ =	swait.ge @!p1 [sflag:s0], $0x4000  }
0x8c: {  	p4 =	sge.u32 s21, s4;
	s7 =	simm.s32 @!p1 $0x0;
	[sflag:s0] =	ssyncset.done @!p1 $0x0  }
0x8d: {  	s8 =	simm.s32 @!p1 $0x4000;
	[sflag:s0] =	ssyncadd.s32 @!p1 $0xFFFFC000;
	s0 =	sadd.s32 @!p1 $0x1800, s30  }
0x8e: {  	[hbm4b:s0+s7] =	stream.linear.scatter @!p1 [tilespmem:s8], [sflag:$0xC], $0x4000, $0x38;
	[tilespmem:$0x1FC80] =	vst v63  }
0x8f: {  	s0 =	sadd.s32 @!p4 s29, s16  }
0x90: {  	s8 =	simm.s32 @!p4 $0x0;
	s7 =	simm.s32 @!p4 $0xC080;
	s0 =	sadd.s32 @!p4 $0x50, s0  }
0x91: {  	[tilespmem:s7], [sflag:$0x2] =	stream.linear.gather @!p4 [hbm4b:s0+s8], $0x80, $0x38;
	[tilespmem:$0x1FC80] =	vst v63  }
0x92: {  	s0 =	sadd.s32 @!p4 s29, s15  }
0x93: {  	s9 =	simm.s32 @!p4 $0xC280;
	s0 =	sadd.s32 @!p4 $0x50, s0  }
0x94: {  	[tilespmem:s9], [sflag:$0x2] =	stream.linear.gather @!p4 [hbm4b:s0+s8], $0x80, $0x38;
	[tilespmem:$0x1FC80] =	vst v63  }
0x95: {  	s0 =	simm.s32 @!p3 $0xB  }
0x96: {  	_ =	swait.ge @!p3 [sflag:s0], $0x4000  }
0x97: {  	[sflag:s0] =	ssyncset.done @!p3 $0x0  }
0x98: {  	[sflag:s0] =	ssyncadd.s32 @!p3 $0xFFFFC000;
	s0 =	simm.s32 @!p3 $0x4  }
0x99: {  	_ =	swait.ge @!p3 [sflag:s0], $0x80  }
0x9a: {  	[sflag:s0] =	ssyncset.done @!p3 $0x0  }
0x9b: {  	[sflag:s0] =	ssyncadd.s32 @!p3 $0xFFFFFF80  }
0x9c: {  	_ =	swait.ge @!p3 [sflag:s0], $0x80  }
0x9d: {  	[sflag:s0] =	ssyncset.done @!p3 $0x0  }
0x9e: {  	p1 =	sgt.u32 s22, s4;
	[sflag:s0] =	ssyncadd.s32 @!p3 $0xFFFFFF80;
	s0 =	simm.s32 @!p3 $0x80  }
0x9f: {  	[tilespmem:s5], [sflag:$0x5] =	stream.indirect.gather @!p3 [spmem:s1], $0x80, s6, s0, $0xb8;
	[tilespmem:$0x1FC80] =	vst v63  }
0xa0: {  	s0 =	simm.s32 @!p1 $0x7  }
0xa1: {  	_ =	swait.ge @!p1 [sflag:s0], $0x4000  }
0xa2: {  	s5 =	simm.s32 @!p1 $0xC300;
	[sflag:s0] =	ssyncset.done @!p1 $0x0  }
0xa3: {  	s6 =	simm.s32 @!p1 $0x8000;
	[sflag:s0] =	ssyncadd.s32 @!p1 $0xFFFFC000;
	s0 =	simm.s32 @!p1 $0x80  }
0xa4: {  	[tilespmem:s6], [sflag:$0xA] =	stream.indirect.gather.add.f32 @!p1 [hbm:s3], $0x80, s5, s0, $0xb8;
	[tilespmem:$0x1FC80] =	vst v63  }
0xa5: {  	p1 =	sge.u32 s20, s12  }
0xa6: {  	s0 =	simm.s32 @!p1 $0xA  }
0xa7: {  	s22 =	sadd.s32 $0x6, s31;
	_ =	swait.ge @!p1 [sflag:s0], $0x4000  }
0xa8: {  	p3 =	sge.u32 s22, s4;
	s5 =	simm.s32 @!p1 $0x0;
	[sflag:s0] =	ssyncset.done @!p1 $0x0  }
0xa9: {  	s6 =	simm.s32 @!p1 $0x8000;
	[sflag:s0] =	ssyncadd.s32 @!p1 $0xFFFFC000;
	s0 =	sadd.s32 @!p1 $0x2000, s30  }
0xaa: {  	[hbm4b:s0+s5] =	stream.linear.scatter @!p1 [tilespmem:s6], [sflag:$0xD], $0x4000, $0x38;
	[tilespmem:$0x1FC80] =	vst v63  }
0xab: {  	s0 =	sadd.s32 @!p3 s29, s16  }
0xac: {  	s8 =	simm.s32 @!p3 $0xC100;
	s5 =	simm.s32 @!p3 $0x0;
	s0 =	sadd.s32 @!p3 $0x60, s0  }
0xad: {  	[tilespmem:s8], [sflag:$0x3] =	stream.linear.gather @!p3 [hbm4b:s0+s5], $0x80, $0x38;
	[tilespmem:$0x1FC80] =	vst v63  }
0xae: {  	s0 =	sadd.s32 @!p3 s29, s15  }
0xaf: {  	s6 =	simm.s32 @!p3 $0xC300;
	s0 =	sadd.s32 @!p3 $0x60, s0  }
0xb0: {  	[tilespmem:s6], [sflag:$0x3] =	stream.linear.gather @!p3 [hbm4b:s0+s5], $0x80, $0x38;
	[tilespmem:$0x1FC80] =	vst v63  }
0xb1: {  	s0 =	simm.s32 @!p2 $0xC  }
0xb2: {  	_ =	swait.ge @!p2 [sflag:s0], $0x4000  }
0xb3: {  	[sflag:s0] =	ssyncset.done @!p2 $0x0  }
0xb4: {  	[sflag:s0] =	ssyncadd.s32 @!p2 $0xFFFFC000;
	s0 =	simm.s32 @!p2 $0x1  }
0xb5: {  	_ =	swait.ge @!p2 [sflag:s0], $0x80  }
0xb6: {  	[sflag:s0] =	ssyncset.done @!p2 $0x0  }
0xb7: {  	[sflag:s0] =	ssyncadd.s32 @!p2 $0xFFFFFF80  }
0xb8: {  	_ =	swait.ge @!p2 [sflag:s0], $0x80  }
0xb9: {  	p1 =	sgt.u32 s20, s4;
	[sflag:s0] =	ssyncset.done @!p2 $0x0  }
0xba: {  	s6 =	simm.s32 @!p2 $0x4000;
	[sflag:s0] =	ssyncadd.s32 @!p2 $0xFFFFFF80;
	s0 =	simm.s32 @!p2 $0x80  }
0xbb: {  	[tilespmem:s6], [sflag:$0x6] =	stream.indirect.gather @!p2 [spmem:s1], $0x80, s23, s0, $0xb8;
	[tilespmem:$0x1FC80] =	vst v63  }
0xbc: {  	s0 =	simm.s32 @!p1 $0x5  }
0xbd: {  	_ =	swait.ge @!p1 [sflag:s0], $0x4000  }
0xbe: {  	s9 =	simm.s32 @!p1 $0x0;
	[sflag:s0] =	ssyncset.done @!p1 $0x0  }
0xbf: {  	s6 =	simm.s32 @!p1 $0xC380;
	[sflag:s0] =	ssyncadd.s32 @!p1 $0xFFFFC000;
	s0 =	simm.s32 @!p1 $0x80  }
0xc0: {  	[tilespmem:s9], [sflag:$0x8] =	stream.indirect.gather.add.f32 @!p1 [hbm:s3], $0x80, s6, s0, $0xb8;
	[tilespmem:$0x1FC80] =	vst v63  }
0xc1: {  	p1 =	sge.u32 s21, s12  }
0xc2: {  	s0 =	simm.s32 @!p1 $0x8  }
0xc3: {  	_ =	swait.ge @!p1 [sflag:s0], $0x4000  }
0xc4: {  	[sflag:s0] =	ssyncset.done @!p1 $0x0  }
0xc5: {  	s6 =	simm.s32 @!p1 $0x0;
	[sflag:s0] =	ssyncadd.s32 @!p1 $0xFFFFC000;
	s0 =	sadd.s32 @!p1 $0x2800, s30  }
0xc6: {  	[hbm4b:s0+s6] =	stream.linear.scatter @!p1 [tilespmem:s6], [sflag:$0xB], $0x4000, $0x38;
	[tilespmem:$0x1FC80] =	vst v63  }
0xc7: {  	s0 =	sadd.s32 $0x7, s31  }
0xc8: {  	p1 =	sge.u32 s0, s4  }
0xc9: {  	s6 =	sadd.s32 @!p1 s29, s16  }
0xca: {  	s20 =	simm.s32 @!p1 $0x0;
	s9 =	sadd.s32 @!p1 $0x70, s6;
	s6 =	simm.s32 @!p1 $0xC180  }
0xcb: {  	[tilespmem:s6], [sflag:$0x4] =	stream.linear.gather @!p1 [hbm4b:s9+s20], $0x80, $0x38;
	[tilespmem:$0x1FC80] =	vst v63  }
0xcc: {  	s9 =	sadd.s32 @!p1 s29, s15  }
0xcd: {  	s23 =	simm.s32 @!p1 $0xC380;
	s9 =	sadd.s32 @!p1 $0x70, s9  }
0xce: {  	[tilespmem:s23], [sflag:$0x4] =	stream.linear.gather @!p1 [hbm4b:s9+s20], $0x80, $0x38;
	[tilespmem:$0x1FC80] =	vst v63  }
0xcf: {  	s9 =	simm.s32 @!p4 $0xD  }
0xd0: {  	_ =	swait.ge @!p4 [sflag:s9], $0x4000  }
0xd1: {  	[sflag:s9] =	ssyncset.done @!p4 $0x0  }
0xd2: {  	[sflag:s9] =	ssyncadd.s32 @!p4 $0xFFFFC000;
	s9 =	simm.s32 @!p4 $0x2  }
0xd3: {  	_ =	swait.ge @!p4 [sflag:s9], $0x80  }
0xd4: {  	[sflag:s9] =	ssyncset.done @!p4 $0x0  }
0xd5: {  	[sflag:s9] =	ssyncadd.s32 @!p4 $0xFFFFFF80  }
0xd6: {  	_ =	swait.ge @!p4 [sflag:s9], $0x80  }
0xd7: {  	p2 =	sgt.u32 s21, s4;
	[sflag:s9] =	ssyncset.done @!p4 $0x0  }
0xd8: {  	s20 =	simm.s32 @!p4 $0x8000;
	[sflag:s9] =	ssyncadd.s32 @!p4 $0xFFFFFF80;
	s9 =	simm.s32 @!p4 $0x80  }
0xd9: {  	[tilespmem:s20], [sflag:$0x7] =	stream.indirect.gather @!p4 [spmem:s1], $0x80, s7, s9, $0xb8;
	[tilespmem:$0x1FC80] =	vst v63  }
0xda: {  	s7 =	simm.s32 @!p2 $0x6  }
0xdb: {  	_ =	swait.ge @!p2 [sflag:s7], $0x4000  }
0xdc: {  	s9 =	simm.s32 @!p2 $0xC200;
	[sflag:s7] =	ssyncset.done @!p2 $0x0  }
0xdd: {  	s20 =	simm.s32 @!p2 $0x4000;
	[sflag:s7] =	ssyncadd.s32 @!p2 $0xFFFFC000;
	s7 =	simm.s32 @!p2 $0x80  }
0xde: {  	[tilespmem:s20], [sflag:$0x9] =	stream.indirect.gather.add.f32 @!p2 [hbm:s3], $0x80, s9, s7, $0xb8;
	[tilespmem:$0x1FC80] =	vst v63  }
0xdf: {  	p2 =	sge.u32 s22, s12  }
0xe0: {  	s7 =	simm.s32 @!p2 $0x9  }
0xe1: {  	_ =	swait.ge @!p2 [sflag:s7], $0x4000  }
0xe2: {  	s9 =	simm.s32 @!p2 $0x0;
	[sflag:s7] =	ssyncset.done @!p2 $0x0  }
0xe3: {  	s20 =	simm.s32 @!p2 $0x4000;
	[sflag:s7] =	ssyncadd.s32 @!p2 $0xFFFFC000;
	s7 =	sadd.s32 @!p2 $0x3000, s30  }
0xe4: {  	[hbm4b:s7+s9] =	stream.linear.scatter @!p2 [tilespmem:s20], [sflag:$0xC], $0x4000, $0x38;
	[tilespmem:$0x1FC80] =	vst v63  }
0xe5: {  	s20 =	sadd.s32 $0x8, s31  }
0xe6: {  	p2 =	sge.u32 s20, s4  }
0xe7: {  	s7 =	sadd.s32 @!p2 s29, s16  }
0xe8: {  	s21 =	simm.s32 @!p2 $0x0;
	s9 =	sadd.s32 @!p2 $0x80, s7;
	s7 =	simm.s32 @!p2 $0xC000  }
0xe9: {  	[tilespmem:s7], [sflag:$0x1] =	stream.linear.gather @!p2 [hbm4b:s9+s21], $0x80, $0x38;
	[tilespmem:$0x1FC80] =	vst v63  }
0xea: {  	s9 =	sadd.s32 @!p2 s29, s15  }
0xeb: {  	s23 =	simm.s32 @!p2 $0xC200;
	s9 =	sadd.s32 @!p2 $0x80, s9  }
0xec: {  	[tilespmem:s23], [sflag:$0x1] =	stream.linear.gather @!p2 [hbm4b:s9+s21], $0x80, $0x38;
	[tilespmem:$0x1FC80] =	vst v63  }
0xed: {  	s9 =	simm.s32 @!p3 $0xB  }
0xee: {  	_ =	swait.ge @!p3 [sflag:s9], $0x4000  }
0xef: {  	[sflag:s9] =	ssyncset.done @!p3 $0x0  }
0xf0: {  	[sflag:s9] =	ssyncadd.s32 @!p3 $0xFFFFC000;
	s9 =	simm.s32 @!p3 $0x3  }
0xf1: {  	_ =	swait.ge @!p3 [sflag:s9], $0x80  }
0xf2: {  	[sflag:s9] =	ssyncset.done @!p3 $0x0  }
0xf3: {  	[sflag:s9] =	ssyncadd.s32 @!p3 $0xFFFFFF80  }
0xf4: {  	_ =	swait.ge @!p3 [sflag:s9], $0x80  }
0xf5: {  	[sflag:s9] =	ssyncset.done @!p3 $0x0  }
0xf6: {  	[sflag:s9] =	ssyncadd.s32 @!p3 $0xFFFFFF80;
	s9 =	simm.s32 @!p3 $0x80  }
0xf7: {  	[tilespmem:s5], [sflag:$0x5] =	stream.indirect.gather @!p3 [spmem:s1], $0x80, s8, s9, $0xb8;
	[tilespmem:$0x1FC80] =	vst v63  }
0xf8: {  	p3 =	sgt.u32 s22, s4  }
0xf9: {  	s5 =	simm.s32 @!p3 $0x7  }
0xfa: {  	_ =	swait.ge @!p3 [sflag:s5], $0x4000  }
0xfb: {  	s8 =	simm.s32 @!p3 $0xC280;
	[sflag:s5] =	ssyncset.done @!p3 $0x0  }
0xfc: {  	s9 =	simm.s32 @!p3 $0x8000;
	[sflag:s5] =	ssyncadd.s32 @!p3 $0xFFFFC000;
	s5 =	simm.s32 @!p3 $0x80  }
0xfd: {  	[tilespmem:s9], [sflag:$0xA] =	stream.indirect.gather.add.f32 @!p3 [hbm:s3], $0x80, s8, s5, $0xb8;
	[tilespmem:$0x1FC80] =	vst v63  }
0xfe: {  	p3 =	sge.u32 s0, s12  }
0xff: {  	s5 =	simm.s32 @!p3 $0xA  }
0x100: {  	_ =	swait.ge @!p3 [sflag:s5], $0x4000  }
0x101: {  	s21 =	sadd.s32 $0x9, s31;
	s8 =	simm.s32 @!p3 $0x0;
	[sflag:s5] =	ssyncset.done @!p3 $0x0  }
0x102: {  	s9 =	simm.s32 @!p3 $0x8000;
	[sflag:s5] =	ssyncadd.s32 @!p3 $0xFFFFC000;
	s5 =	sadd.s32 @!p3 $0x3800, s30  }
0x103: {  	[hbm4b:s5+s8] =	stream.linear.scatter @!p3 [tilespmem:s9], [sflag:$0xD], $0x4000, $0x38;
	[tilespmem:$0x1FC80] =	vst v63  }
0x104: {  	p3 =	sge.u32 s21, s4  }
0x105: {  	s5 =	sadd.s32 @!p3 s29, s16  }
0x106: {  	s8 =	simm.s32 @!p3 $0xC080;
	s9 =	sadd.s32 @!p3 $0x90, s5;
	s5 =	simm.s32 @!p3 $0x0  }
0x107: {  	[tilespmem:s8], [sflag:$0x2] =	stream.linear.gather @!p3 [hbm4b:s9+s5], $0x80, $0x38;
	[tilespmem:$0x1FC80] =	vst v63  }
0x108: {  	s9 =	sadd.s32 @!p3 s29, s15  }
0x109: {  	s22 =	simm.s32 @!p3 $0xC280;
	s9 =	sadd.s32 @!p3 $0x90, s9  }
0x10a: {  	[tilespmem:s22], [sflag:$0x2] =	stream.linear.gather @!p3 [hbm4b:s9+s5], $0x80, $0x38;
	[tilespmem:$0x1FC80] =	vst v63  }
0x10b: {  	s9 =	simm.s32 @!p1 $0xC  }
0x10c: {  	_ =	swait.ge @!p1 [sflag:s9], $0x4000  }
0x10d: {  	[sflag:s9] =	ssyncset.done @!p1 $0x0  }
0x10e: {  	[sflag:s9] =	ssyncadd.s32 @!p1 $0xFFFFC000;
	s9 =	simm.s32 @!p1 $0x4  }
0x10f: {  	_ =	swait.ge @!p1 [sflag:s9], $0x80  }
0x110: {  	[sflag:s9] =	ssyncset.done @!p1 $0x0  }
0x111: {  	[sflag:s9] =	ssyncadd.s32 @!p1 $0xFFFFFF80  }
0x112: {  	_ =	swait.ge @!p1 [sflag:s9], $0x80  }
0x113: {  	[sflag:s9] =	ssyncset.done @!p1 $0x0  }
0x114: {  	s22 =	simm.s32 @!p1 $0x4000;
	[sflag:s9] =	ssyncadd.s32 @!p1 $0xFFFFFF80;
	s9 =	simm.s32 @!p1 $0x80  }
0x115: {  	[tilespmem:s22], [sflag:$0x6] =	stream.indirect.gather @!p1 [spmem:s1], $0x80, s6, s9, $0xb8;
	[tilespmem:$0x1FC80] =	vst v63  }
0x116: {  	p1 =	sgt.u32 s0, s4  }
0x117: {  	s0 =	simm.s32 @!p1 $0x5  }
0x118: {  	_ =	swait.ge @!p1 [sflag:s0], $0x4000  }
0x119: {  	s6 =	simm.s32 @!p1 $0xC300;
	[sflag:s0] =	ssyncset.done @!p1 $0x0  }
0x11a: {  	s9 =	simm.s32 @!p1 $0x0;
	[sflag:s0] =	ssyncadd.s32 @!p1 $0xFFFFC000;
	s0 =	simm.s32 @!p1 $0x80  }
0x11b: {  	[tilespmem:s9], [sflag:$0x8] =	stream.indirect.gather.add.f32 @!p1 [hbm:s3], $0x80, s6, s0, $0xb8;
	[tilespmem:$0x1FC80] =	vst v63  }
0x11c: {  	p1 =	sge.u32 s20, s12  }
0x11d: {  	s0 =	simm.s32 @!p1 $0x8  }
0x11e: {  	_ =	swait.ge @!p1 [sflag:s0], $0x4000  }
0x11f: {  	[sflag:s0] =	ssyncset.done @!p1 $0x0  }
0x120: {  	s6 =	simm.s32 @!p1 $0x0;
	[sflag:s0] =	ssyncadd.s32 @!p1 $0xFFFFC000;
	s0 =	sadd.s32 @!p1 $0x4000, s30  }
0x121: {  	[hbm4b:s0+s6] =	stream.linear.scatter @!p1 [tilespmem:s6], [sflag:$0xB], $0x4000, $0x38;
	[tilespmem:$0x1FC80] =	vst v63  }
0x122: {  	s0 =	sadd.s32 $0xA, s31  }
0x123: {  	p1 =	sge.u32 s0, s4  }
0x124: {  	s6 =	sadd.s32 @!p1 s29, s16  }
0x125: {  	s22 =	simm.s32 @!p1 $0x0;
	s9 =	sadd.s32 @!p1 $0xA0, s6;
	s6 =	simm.s32 @!p1 $0xC100  }
0x126: {  	[tilespmem:s6], [sflag:$0x3] =	stream.linear.gather @!p1 [hbm4b:s9+s22], $0x80, $0x38;
	[tilespmem:$0x1FC80] =	vst v63  }
0x127: {  	s9 =	sadd.s32 @!p1 s29, s15  }
0x128: {  	s23 =	simm.s32 @!p1 $0xC300;
	s9 =	sadd.s32 @!p1 $0xA0, s9  }
0x129: {  	[tilespmem:s23], [sflag:$0x3] =	stream.linear.gather @!p1 [hbm4b:s9+s22], $0x80, $0x38;
	[tilespmem:$0x1FC80] =	vst v63  }
0x12a: {  	s9 =	simm.s32 @!p2 $0xD  }
0x12b: {  	_ =	swait.ge @!p2 [sflag:s9], $0x4000  }
0x12c: {  	[sflag:s9] =	ssyncset.done @!p2 $0x0  }
0x12d: {  	[sflag:s9] =	ssyncadd.s32 @!p2 $0xFFFFC000;
	s9 =	simm.s32 @!p2 $0x1  }
0x12e: {  	_ =	swait.ge @!p2 [sflag:s9], $0x80  }
0x12f: {  	[sflag:s9] =	ssyncset.done @!p2 $0x0  }
0x130: {  	[sflag:s9] =	ssyncadd.s32 @!p2 $0xFFFFFF80  }
0x131: {  	_ =	swait.ge @!p2 [sflag:s9], $0x80  }
0x132: {  	[sflag:s9] =	ssyncset.done @!p2 $0x0  }
0x133: {  	s22 =	simm.s32 @!p2 $0x8000;
	[sflag:s9] =	ssyncadd.s32 @!p2 $0xFFFFFF80;
	s9 =	simm.s32 @!p2 $0x80  }
0x134: {  	[tilespmem:s22], [sflag:$0x7] =	stream.indirect.gather @!p2 [spmem:s1], $0x80, s7, s9, $0xb8;
	[tilespmem:$0x1FC80] =	vst v63  }
0x135: {  	p2 =	sgt.u32 s20, s4  }
0x136: {  	s7 =	simm.s32 @!p2 $0x6  }
0x137: {  	_ =	swait.ge @!p2 [sflag:s7], $0x4000  }
0x138: {  	s9 =	simm.s32 @!p2 $0xC380;
	[sflag:s7] =	ssyncset.done @!p2 $0x0  }
0x139: {  	s20 =	simm.s32 @!p2 $0x4000;
	[sflag:s7] =	ssyncadd.s32 @!p2 $0xFFFFC000;
	s7 =	simm.s32 @!p2 $0x80  }
0x13a: {  	[tilespmem:s20], [sflag:$0x9] =	stream.indirect.gather.add.f32 @!p2 [hbm:s3], $0x80, s9, s7, $0xb8;
	[tilespmem:$0x1FC80] =	vst v63  }
0x13b: {  	p2 =	sge.u32 s21, s12  }
0x13c: {  	s7 =	simm.s32 @!p2 $0x9  }
0x13d: {  	_ =	swait.ge @!p2 [sflag:s7], $0x4000  }
0x13e: {  	s9 =	simm.s32 @!p2 $0x0;
	[sflag:s7] =	ssyncset.done @!p2 $0x0  }
0x13f: {  	s20 =	simm.s32 @!p2 $0x4000;
	[sflag:s7] =	ssyncadd.s32 @!p2 $0xFFFFC000;
	s7 =	sadd.s32 @!p2 $0x4800, s30  }
0x140: {  	[hbm4b:s7+s9] =	stream.linear.scatter @!p2 [tilespmem:s20], [sflag:$0xC], $0x4000, $0x38;
	[tilespmem:$0x1FC80] =	vst v63  }
0x141: {  	s20 =	sadd.s32 $0xB, s31  }
0x142: {  	p2 =	sge.u32 s20, s4  }
0x143: {  	s7 =	sadd.s32 @!p2 s29, s16  }
0x144: {  	s22 =	simm.s32 @!p2 $0x0;
	s9 =	sadd.s32 @!p2 $0xB0, s7;
	s7 =	simm.s32 @!p2 $0xC180  }
0x145: {  	[tilespmem:s7], [sflag:$0x4] =	stream.linear.gather @!p2 [hbm4b:s9+s22], $0x80, $0x38;
	[tilespmem:$0x1FC80] =	vst v63  }
0x146: {  	s9 =	sadd.s32 @!p2 s29, s15  }
0x147: {  	s23 =	simm.s32 @!p2 $0xC380;
	s9 =	sadd.s32 @!p2 $0xB0, s9  }
0x148: {  	[tilespmem:s23], [sflag:$0x4] =	stream.linear.gather @!p2 [hbm4b:s9+s22], $0x80, $0x38;
	[tilespmem:$0x1FC80] =	vst v63  }
0x149: {  	s9 =	simm.s32 @!p3 $0xB  }
0x14a: {  	_ =	swait.ge @!p3 [sflag:s9], $0x4000  }
0x14b: {  	[sflag:s9] =	ssyncset.done @!p3 $0x0  }
0x14c: {  	[sflag:s9] =	ssyncadd.s32 @!p3 $0xFFFFC000;
	s9 =	simm.s32 @!p3 $0x2  }
0x14d: {  	_ =	swait.ge @!p3 [sflag:s9], $0x80  }
0x14e: {  	[sflag:s9] =	ssyncset.done @!p3 $0x0  }
0x14f: {  	[sflag:s9] =	ssyncadd.s32 @!p3 $0xFFFFFF80  }
0x150: {  	_ =	swait.ge @!p3 [sflag:s9], $0x80  }
0x151: {  	[sflag:s9] =	ssyncset.done @!p3 $0x0  }
0x152: {  	[sflag:s9] =	ssyncadd.s32 @!p3 $0xFFFFFF80;
	s9 =	simm.s32 @!p3 $0x80  }
0x153: {  	[tilespmem:s5], [sflag:$0x5] =	stream.indirect.gather @!p3 [spmem:s1], $0x80, s8, s9, $0xb8;
	[tilespmem:$0x1FC80] =	vst v63  }
0x154: {  	p3 =	sgt.u32 s21, s4  }
0x155: {  	s5 =	simm.s32 @!p3 $0x7  }
0x156: {  	_ =	swait.ge @!p3 [sflag:s5], $0x4000  }
0x157: {  	s8 =	simm.s32 @!p3 $0xC200;
	[sflag:s5] =	ssyncset.done @!p3 $0x0  }
0x158: {  	s9 =	simm.s32 @!p3 $0x8000;
	[sflag:s5] =	ssyncadd.s32 @!p3 $0xFFFFC000;
	s5 =	simm.s32 @!p3 $0x80  }
0x159: {  	[tilespmem:s9], [sflag:$0xA] =	stream.indirect.gather.add.f32 @!p3 [hbm:s3], $0x80, s8, s5, $0xb8;
	[tilespmem:$0x1FC80] =	vst v63  }
0x15a: {  	p3 =	sge.u32 s0, s12  }
0x15b: {  	s5 =	simm.s32 @!p3 $0xA  }
0x15c: {  	_ =	swait.ge @!p3 [sflag:s5], $0x4000  }
0x15d: {  	s22 =	sadd.s32 $0xC, s31;
	s8 =	simm.s32 @!p3 $0x0;
	[sflag:s5] =	ssyncset.done @!p3 $0x0  }
0x15e: {  	s9 =	simm.s32 @!p3 $0x8000;
	[sflag:s5] =	ssyncadd.s32 @!p3 $0xFFFFC000;
	s5 =	sadd.s32 @!p3 $0x5000, s30  }
0x15f: {  	[hbm4b:s5+s8] =	stream.linear.scatter @!p3 [tilespmem:s9], [sflag:$0xD], $0x4000, $0x38;
	[tilespmem:$0x1FC80] =	vst v63  }
0x160: {  	p3 =	sge.u32 s22, s4  }
0x161: {  	s8 =	sadd.s32 @!p3 s29, s16  }
0x162: {  	s9 =	simm.s32 @!p3 $0x0;
	s21 =	simm.s32 @!p3 $0xC000;
	s8 =	sadd.s32 @!p3 $0xC0, s8  }
0x163: {  	[tilespmem:s21], [sflag:$0x1] =	stream.linear.gather @!p3 [hbm4b:s8+s9], $0x80, $0x38;
	[tilespmem:$0x1FC80] =	vst v63  }
0x164: {  	s8 =	sadd.s32 @!p3 s29, s15  }
0x165: {  	s21 =	simm.s32 @!p3 $0xC200;
	s8 =	sadd.s32 @!p3 $0xC0, s8  }
0x166: {  	[tilespmem:s21], [sflag:$0x1] =	stream.linear.gather @!p3 [hbm4b:s8+s9], $0x80, $0x38;
	[tilespmem:$0x1FC80] =	vst v63  }
0x167: {  	s8 =	simm.s32 @!p1 $0xC  }
0x168: {  	_ =	swait.ge @!p1 [sflag:s8], $0x4000  }
0x169: {  	[sflag:s8] =	ssyncset.done @!p1 $0x0  }
0x16a: {  	[sflag:s8] =	ssyncadd.s32 @!p1 $0xFFFFC000;
	s8 =	simm.s32 @!p1 $0x3  }
0x16b: {  	_ =	swait.ge @!p1 [sflag:s8], $0x80  }
0x16c: {  	[sflag:s8] =	ssyncset.done @!p1 $0x0  }
0x16d: {  	[sflag:s8] =	ssyncadd.s32 @!p1 $0xFFFFFF80  }
0x16e: {  	_ =	swait.ge @!p1 [sflag:s8], $0x80  }
0x16f: {  	[sflag:s8] =	ssyncset.done @!p1 $0x0  }
0x170: {  	s9 =	simm.s32 @!p1 $0x4000;
	[sflag:s8] =	ssyncadd.s32 @!p1 $0xFFFFFF80;
	s8 =	simm.s32 @!p1 $0x80  }
0x171: {  	[tilespmem:s9], [sflag:$0x6] =	stream.indirect.gather @!p1 [spmem:s1], $0x80, s6, s8, $0xb8;
	[tilespmem:$0x1FC80] =	vst v63  }
0x172: {  	p1 =	sgt.u32 s0, s4  }
0x173: {  	s0 =	simm.s32 @!p1 $0x5  }
0x174: {  	_ =	swait.ge @!p1 [sflag:s0], $0x4000  }
0x175: {  	s6 =	simm.s32 @!p1 $0xC280;
	[sflag:s0] =	ssyncset.done @!p1 $0x0  }
0x176: {  	s8 =	simm.s32 @!p1 $0x0;
	[sflag:s0] =	ssyncadd.s32 @!p1 $0xFFFFC000;
	s0 =	simm.s32 @!p1 $0x80  }
0x177: {  	[tilespmem:s8], [sflag:$0x8] =	stream.indirect.gather.add.f32 @!p1 [hbm:s3], $0x80, s6, s0, $0xb8;
	[tilespmem:$0x1FC80] =	vst v63  }
0x178: {  	p1 =	sge.u32 s20, s12  }
0x179: {  	s0 =	simm.s32 @!p1 $0x8  }
0x17a: {  	_ =	swait.ge @!p1 [sflag:s0], $0x4000  }
0x17b: {  	s23 =	sadd.s32 $0xD, s31;
	[sflag:s0] =	ssyncset.done @!p1 $0x0  }
0x17c: {  	s6 =	simm.s32 @!p1 $0x0;
	[sflag:s0] =	ssyncadd.s32 @!p1 $0xFFFFC000;
	s0 =	sadd.s32 @!p1 $0x5800, s30  }
0x17d: {  	[hbm4b:s0+s6] =	stream.linear.scatter @!p1 [tilespmem:s6], [sflag:$0xB], $0x4000, $0x38;
	[tilespmem:$0x1FC80] =	vst v63  }
0x17e: {  	p1 =	sge.u32 s23, s4  }
0x17f: {  	s0 =	sadd.s32 @!p1 s29, s16  }
0x180: {  	s6 =	simm.s32 @!p1 $0x0;
	s8 =	simm.s32 @!p1 $0xC080;
	s0 =	sadd.s32 @!p1 $0xD0, s0  }
0x181: {  	[tilespmem:s8], [sflag:$0x2] =	stream.linear.gather @!p1 [hbm4b:s0+s6], $0x80, $0x38;
	[tilespmem:$0x1FC80] =	vst v63  }
0x182: {  	s0 =	sadd.s32 @!p1 s29, s15  }
0x183: {  	s8 =	simm.s32 @!p1 $0xC280;
	s0 =	sadd.s32 @!p1 $0xD0, s0  }
0x184: {  	[tilespmem:s8], [sflag:$0x2] =	stream.linear.gather @!p1 [hbm4b:s0+s6], $0x80, $0x38;
	[tilespmem:$0x1FC80] =	vst v63  }
0x185: {  	s0 =	simm.s32 @!p2 $0xD  }
0x186: {  	_ =	swait.ge @!p2 [sflag:s0], $0x4000  }
0x187: {  	[sflag:s0] =	ssyncset.done @!p2 $0x0  }
0x188: {  	[sflag:s0] =	ssyncadd.s32 @!p2 $0xFFFFC000;
	s0 =	simm.s32 @!p2 $0x4  }
0x189: {  	_ =	swait.ge @!p2 [sflag:s0], $0x80  }
0x18a: {  	[sflag:s0] =	ssyncset.done @!p2 $0x0  }
0x18b: {  	[sflag:s0] =	ssyncadd.s32 @!p2 $0xFFFFFF80  }
0x18c: {  	_ =	swait.ge @!p2 [sflag:s0], $0x80  }
0x18d: {  	s6 =	simm.s32 @!p2 $0x8000;
	[sflag:s0] =	ssyncset.done @!p2 $0x0  }
0x18e: {  	p1 =	sgt.u32 s20, s4;
	[sflag:s0] =	ssyncadd.s32 @!p2 $0xFFFFFF80;
	s0 =	simm.s32 @!p2 $0x80  }
0x18f: {  	[tilespmem:s6], [sflag:$0x7] =	stream.indirect.gather @!p2 [spmem:s1], $0x80, s7, s0, $0xb8;
	[tilespmem:$0x1FC80] =	vst v63  }
0x190: {  	s0 =	simm.s32 @!p1 $0x6  }
0x191: {  	_ =	swait.ge @!p1 [sflag:s0], $0x4000  }
0x192: {  	s29 =	sadd.s32 $0xC0, s29;
	s6 =	simm.s32 @!p1 $0xC300;
	[sflag:s0] =	ssyncset.done @!p1 $0x0  }
0x193: {  	s7 =	simm.s32 @!p1 $0x4000;
	[sflag:s0] =	ssyncadd.s32 @!p1 $0xFFFFC000;
	s0 =	simm.s32 @!p1 $0x80  }
0x194: {  	[tilespmem:s7], [sflag:$0x9] =	stream.indirect.gather.add.f32 @!p1 [hbm:s3], $0x80, s6, s0, $0xb8;
	[tilespmem:$0x1FC80] =	vst v63  }
0x195: {  	p1 =	sne.s32 s29, $0x600  }
.Ltmp0:
0x196: {  	_ = 	snop;
	(pc) =	sbr.rel @p1 .LBB2_2-.Ltmp0, $2  }
0x197: {  	_ =	sdelay $0x2  }
0x198: {  	s31 =	smov.u32 s22;
	s30 =	sadd.s32 $0x6000, s30  }
0x199: {  	_ =	swait.ge [sflag:s24], $0x4000  }
0x19a: {  	[sflag:s24] =	ssyncset.done $0x0  }
0x19b: {  	s28 =	sadd.s32 $0x1, s28;
	[sflag:s24] =	ssyncadd.s32 $0xFFFFC000  }
0x19c: {  	p1 =	sne.s32 s28, s13;
	_ =	swait.ge [sflag:s25], $0x4000  }
.Ltmp1:
0x19d: {  	[sflag:s25] =	ssyncset.done $0x0;
	(pc) =	sbr.rel @p1 .LBB2_1-.Ltmp1, $4  }
0x19e: {  	[sflag:s25] =	ssyncadd.s32 $0xFFFFC000  }
0x19f: {  	_ =	swait.ge [sflag:s26], $0x4000  }
0x1a0: {  	[sflag:s26] =	ssyncset.done $0x0  }
0x1a1: {  	[sflag:s26] =	ssyncadd.s32 $0xFFFFC000  }
0x1a2: {  	_ =	sfence.sel $0x180000  }
0x1a3: {  	[bflag:$0x0] =	sbarrier.arrive $0xFFFF  }
0x1a4: {  	_ =	strace $0x90000047  }
0x1a5: {  	[bflag:$0x2] =	sbarrier.arrive $0xFFFF  }
0x1a6: {  	s0 =	rddreg [dreg:$0x3]  }
0x1a7: {  	s0 =	sadd.s32 @!p0 $0x100000, s0  }
0x1a8: {  	[sflag:s0] =	ssyncadd.tile.s32 @!p0 $0x1;
	_ =	shalt  }
.Lfunc_end2:
_tile_overlayer_lowered:
.L_overlay_start_2:
0x1a9: {  	(tag) =	ssettag $0x2  }
0x1aa: {  	s0 =	rddreg [dreg:$0x0];
	s2 =	stileid.u32  }
0x1ab: {  	s1 =	rddreg [dreg:$0x1];
	p0 =	sne.s32 s2, $0x0  }
0x1ac: {  	s3 =	rddreg [dreg:$0x2];
	[bflag:$0x3] =	sbarrier.arrive $0xFFFF;
	s2 =	simm.s32 @!p0 $0x1C0E  }
0x1ad: {  	[timem:s3], [sflag:s2] =	dma.local @!p0 [hbm:s0], s1  }
0x1ae: {  	s0 =	simm.s32 @!p0 $0xE  }
0x1af: {  	_ =	swait.ge @!p0 [sflag:s0], s1  }
0x1b0: {  	s1 =	ssub.s32 @!p0 $0x0, s1;
	[sflag:s0] =	ssyncset.done @!p0 $0x0  }
0x1b1: {  	[sflag:s0] =	ssyncadd.s32 @!p0 s1  }
0x1b2: {  	[bflag:$0x3] =	sbarrier.arrive $0xFFFF  }
0x1b3: {  	_ =	shalt  }

</sc_bundles>
